<compile_context>
chip_gen: v7x
topology: tpu7x:2x2x1
jax: 0.10.2.dev20260603
libtpu: 0.0.44.dev20260713+nightly
codegen_flags: <defaults>
</compile_context>

<pallas_src>
import functools

import jax
import jax.numpy as jnp
from jax import lax
from jax.experimental import pallas as pl
from jax.experimental.pallas import tpu as pltpu
from jax.experimental.pallas import tpu_sc as plsc

NUM_TYPES = 1000000
CHANNELS = 64
B = 16384
L = 200

NC = 2
NS = 16
NW = NC * NS

GW = 128
N_FLAT = B * L
K = 5
KI = K * GW
PER_W = N_FLAT // NW
NCH = PER_W // KI


def _sc_gather(types_flat, table):
    mesh = plsc.VectorSubcoreMesh(core_axis_name="c", subcore_axis_name="s")

    @functools.partial(
        pl.kernel,
        mesh=mesh,
        out_type=jax.ShapeDtypeStruct((N_FLAT, 2 * CHANNELS), jnp.float32),
        scratch_types=[
            pltpu.VMEM((2, KI), jnp.int32),
            pltpu.VMEM((2, KI, CHANNELS), jnp.float32),
            pltpu.SemaphoreType.DMA,
            pltpu.SemaphoreType.DMA,
            pltpu.SemaphoreType.DMA,
            pltpu.SemaphoreType.DMA,
            pltpu.SemaphoreType.DMA,
        ],
        compiler_params=pltpu.CompilerParams(use_tc_tiling_on_sc=False),
    )
    def run(idx_hbm, table_hbm, out_hbm, idx_v, rows_v,
            sem_g0, sem_g1, sem_o0, sem_o1, sem_i):
        wid = lax.axis_index("s") * NC + lax.axis_index("c")
        w_base = wid * PER_W
        sems_g = (sem_g0, sem_g1)
        sems_o = (sem_o0, sem_o1)

        def prefetch_idx(c, buf):
            base = w_base + c * KI
            pltpu.async_copy(idx_hbm.at[pl.ds(base, KI)], idx_v.at[buf], sem_i)

        def wait_idx(c, buf):
            base = w_base + c * KI
            pltpu.make_async_copy(
                idx_hbm.at[pl.ds(base, KI)], idx_v.at[buf], sem_i
            ).wait()

        def fire_gathers(c, buf):
            for j in range(K):
                pltpu.async_copy(
                    table_hbm.at[idx_v.at[buf, pl.ds(j * GW, GW)]],
                    rows_v.at[buf, pl.ds(j * GW, GW)],
                    sems_g[buf],
                )

        def drain_gathers(c, buf):
            for j in range(K):
                pltpu.make_async_copy(
                    table_hbm.at[idx_v.at[buf, pl.ds(j * GW, GW)]],
                    rows_v.at[buf, pl.ds(j * GW, GW)],
                    sems_g[buf],
                ).wait()

        def out_copy(c, buf):
            base = w_base + c * KI
            pltpu.async_copy(
                rows_v.at[buf],
                out_hbm.at[pl.ds(base, KI), pl.ds(0, CHANNELS)],
                sems_o[buf],
            )

        def wait_out(c, buf):
            base = w_base + c * KI
            pltpu.make_async_copy(
                rows_v.at[buf],
                out_hbm.at[pl.ds(base, KI), pl.ds(0, CHANNELS)],
                sems_o[buf],
            ).wait()

        prefetch_idx(0, 0)
        prefetch_idx(1, 1)
        wait_idx(0, 0)
        fire_gathers(0, 0)

        def step(c, carry):
            def body_for(buf):
                nbuf = 1 - buf

                @pl.when(c + 1 < NCH)
                def _():
                    @pl.when(c >= 1)
                    def _():
                        wait_out(c - 1, nbuf)

                    wait_idx(c + 1, nbuf)
                    fire_gathers(c + 1, nbuf)

                drain_gathers(c, buf)
                out_copy(c, buf)

                @pl.when(c + 2 < NCH)
                def _():
                    prefetch_idx(c + 2, buf)

            lax.cond(c % 2 == 0, lambda: body_for(0), lambda: body_for(1))
            return carry

        lax.fori_loop(0, NCH, step, 0)
        wait_out(NCH - 2, (NCH - 2) % 2)
        wait_out(NCH - 1, (NCH - 1) % 2)

    return run(types_flat, table)


def kernel(types, table):
    out = _sc_gather(types.reshape(N_FLAT), table)
    return out[:, :CHANNELS].reshape(B, L, CHANNELS)

# --- scband reference (transcript-rebuilt; emitter-appended) ---
"""Pipeline reference for scband-type-embedder-2327872274954 (READ-ONLY COPY).

The authoritative reference and input builder live on the scoring server;
editing this copy changes nothing except your own understanding.
"""

import jax, jax.numpy as jnp
import numpy as np

NUM_TYPES = 1000000
CHANNELS = 64
B = 16384
L = 200

def setup_inputs(seed: int = 0) -> dict:
    key = jax.random.key(seed)
    k1, k2 = jax.random.split(key)
    types = jax.random.randint(k1, (B, L), 0, NUM_TYPES, dtype=jnp.int64 if jax.config.jax_enable_x64 else jnp.int32)
    # nn.Embedding default init: N(0, 1)
    table = jax.random.normal(k2, (NUM_TYPES, CHANNELS), dtype=jnp.float32)
    return {"types": types, "table": table}

def reference(types, table):
    # TypeEmbedder.forward with existing_embedding=None, x=None:
    # returns self.type_embedding(types)
    type_embedding = jnp.take(table, types, axis=0)
    return type_embedding

if __name__ == "__main__":
    import jax
    _d = setup_inputs()
    print(jax.jit(kernel)(*tuple(_d.values())))

</pallas_src>

<mosaic_0001>
#map = affine_map<(d0, d1) -> (0)>
#map1 = affine_map<(d0, d1) -> (0, 0)>
module attributes {stable_mosaic.version = 14 : i64} {
  func.func @run(%arg0: i32, %arg1: i32, %arg2: memref<3276800xi32, #tpu.memory_space<hbm>>, %arg3: memref<1000000x64xf32, #tpu.memory_space<hbm>>, %arg4: memref<3276800x128xf32, #tpu.memory_space<hbm>>, %arg5: memref<2x640xi32, #tpu.memory_space<vmem>>, %arg6: memref<2x640x64xf32, #tpu.memory_space<vmem>>, %arg7: memref<!tpu.dma_semaphore, #tpu.memory_space<semaphore_mem>>, %arg8: memref<!tpu.dma_semaphore, #tpu.memory_space<semaphore_mem>>, %arg9: memref<!tpu.dma_semaphore, #tpu.memory_space<semaphore_mem>>, %arg10: memref<!tpu.dma_semaphore, #tpu.memory_space<semaphore_mem>>, %arg11: memref<!tpu.dma_semaphore, #tpu.memory_space<semaphore_mem>>) attributes {dimension_semantics = [#tpu.dimension_semantics<core_parallel>, #tpu.dimension_semantics<subcore_parallel>], iteration_bounds = array<i64: 2, 16>, scalar_prefetch = 0 : i64, scratch_operands = 7 : i64, tpu.core_type = #tpu.core_type<sc_vector_subcore>, window_params = [{transform_indices = #map}, {transform_indices = #map1}, {transform_indices = #map1}]} {
    %mul3A = arith.constant 2 : i32
    %mul3A_0 = arith.muli %arg1, %mul3A : i32
    %add3A = arith.addi %mul3A_0, %arg0 : i32
    %mul3A_1 = arith.constant 102400 : i32
    %mul3A_2 = arith.muli %add3A, %mul3A_1 : i32
    %add3A_3 = arith.constant 0 : i32
    %add3A_4 = arith.addi %mul3A_2, %add3A_3 : i32
    %dma_start3A = arith.constant 0 : i32
    %dma_start3A_5 = arith.constant 0 : i32
    %dma_start3A_6 = tpu.memref_slice %arg5[%dma_start3A, %dma_start3A_5] : memref<2x640xi32, #tpu.memory_space<vmem>> -> memref<1x640xi32, #tpu.memory_space<vmem>>
    %dma_start3A_7 = tpu.memref_squeeze %dma_start3A_6 : memref<1x640xi32, #tpu.memory_space<vmem>> -> memref<640xi32, #tpu.memory_space<vmem>>
    %dma_start3A_8 = tpu.memref_slice %arg2[%add3A_4] : memref<3276800xi32, #tpu.memory_space<hbm>> -> memref<640xi32, #tpu.memory_space<hbm>>
    %dma_start3A_9 = arith.constant 0 : i32
    %dma_start3A_10 = tpu.memref_slice %arg5[%dma_start3A, %dma_start3A_9] : memref<2x640xi32, #tpu.memory_space<vmem>> -> memref<1x640xi32, #tpu.memory_space<vmem>>
    %dma_start3A_11 = tpu.memref_squeeze %dma_start3A_10 : memref<1x640xi32, #tpu.memory_space<vmem>> -> memref<640xi32, #tpu.memory_space<vmem>>
    %dma_start3A_12 = tpu.memref_slice %arg2[%add3A_4] : memref<3276800xi32, #tpu.memory_space<hbm>> -> memref<640xi32, #tpu.memory_space<hbm>>
    tpu.enqueue_dma source(%dma_start3A_12 : memref<640xi32, #tpu.memory_space<hbm>>) target(%dma_start3A_11 : memref<640xi32, #tpu.memory_space<vmem>>) target_semaphore(%arg11 : memref<!tpu.dma_semaphore, #tpu.memory_space<semaphore_mem>>)
    %add3A_13 = arith.constant 640 : i32
    %add3A_14 = arith.addi %mul3A_2, %add3A_13 : i32
    %dma_start3A_15 = arith.constant 1 : i32
    %dma_start3A_16 = arith.constant 0 : i32
    %dma_start3A_17 = tpu.memref_slice %arg5[%dma_start3A_15, %dma_start3A_16] : memref<2x640xi32, #tpu.memory_space<vmem>> -> memref<1x640xi32, #tpu.memory_space<vmem>>
    %dma_start3A_18 = tpu.memref_squeeze %dma_start3A_17 : memref<1x640xi32, #tpu.memory_space<vmem>> -> memref<640xi32, #tpu.memory_space<vmem>>
    %dma_start3A_19 = tpu.memref_slice %arg2[%add3A_14] : memref<3276800xi32, #tpu.memory_space<hbm>> -> memref<640xi32, #tpu.memory_space<hbm>>
    %dma_start3A_20 = arith.constant 0 : i32
    %dma_start3A_21 = tpu.memref_slice %arg5[%dma_start3A_15, %dma_start3A_20] : memref<2x640xi32, #tpu.memory_space<vmem>> -> memref<1x640xi32, #tpu.memory_space<vmem>>
    %dma_start3A_22 = tpu.memref_squeeze %dma_start3A_21 : memref<1x640xi32, #tpu.memory_space<vmem>> -> memref<640xi32, #tpu.memory_space<vmem>>
    %dma_start3A_23 = tpu.memref_slice %arg2[%add3A_14] : memref<3276800xi32, #tpu.memory_space<hbm>> -> memref<640xi32, #tpu.memory_space<hbm>>
    tpu.enqueue_dma source(%dma_start3A_23 : memref<640xi32, #tpu.memory_space<hbm>>) target(%dma_start3A_22 : memref<640xi32, #tpu.memory_space<vmem>>) target_semaphore(%arg11 : memref<!tpu.dma_semaphore, #tpu.memory_space<semaphore_mem>>)
    %add3A_24 = arith.constant 0 : i32
    %add3A_25 = arith.addi %mul3A_2, %add3A_24 : i32
    %dma_wait3A = arith.constant 0 : i32
    %dma_wait3A_26 = arith.constant 0 : i32
    %dma_wait3A_27 = tpu.memref_slice %arg5[%dma_wait3A, %dma_wait3A_26] : memref<2x640xi32, #tpu.memory_space<vmem>> -> memref<1x640xi32, #tpu.memory_space<vmem>>
    %dma_wait3A_28 = tpu.memref_squeeze %dma_wait3A_27 : memref<1x640xi32, #tpu.memory_space<vmem>> -> memref<640xi32, #tpu.memory_space<vmem>>
    %dma_wait3A_29 = tpu.memref_slice %arg2[%add3A_25] : memref<3276800xi32, #tpu.memory_space<hbm>> -> memref<640xi32, #tpu.memory_space<hbm>>
    %dma_wait3A_30 = arith.constant 0 : i32
    %dma_wait3A_31 = tpu.memref_slice %arg5[%dma_wait3A, %dma_wait3A_30] : memref<2x640xi32, #tpu.memory_space<vmem>> -> memref<1x640xi32, #tpu.memory_space<vmem>>
    %dma_wait3A_32 = tpu.memref_squeeze %dma_wait3A_31 : memref<1x640xi32, #tpu.memory_space<vmem>> -> memref<640xi32, #tpu.memory_space<vmem>>
    %dma_wait3A_33 = tpu.memref_slice %arg2[%add3A_25] : memref<3276800xi32, #tpu.memory_space<hbm>> -> memref<640xi32, #tpu.memory_space<hbm>>
    tpu.wait_dma2 semaphore(%arg11 : memref<!tpu.dma_semaphore, #tpu.memory_space<semaphore_mem>>) src(%dma_wait3A_33 : memref<640xi32, #tpu.memory_space<hbm>>) dst(%dma_wait3A_32 : memref<640xi32, #tpu.memory_space<vmem>>)
    %dma_start3A_34 = arith.constant 0 : i32
    %dma_start3A_35 = arith.constant 0 : i32
    %dma_start3A_36 = arith.constant 0 : i32
    %dma_start3A_37 = arith.constant 0 : i32
    %dma_start3A_38 = tpu.memref_slice %arg6[%dma_start3A_35, %dma_start3A_36, %dma_start3A_37] : memref<2x640x64xf32, #tpu.memory_space<vmem>> -> memref<1x128x64xf32, #tpu.memory_space<vmem>>
    %dma_start3A_39 = tpu.memref_squeeze %dma_start3A_38 : memref<1x128x64xf32, #tpu.memory_space<vmem>> -> memref<128x64xf32, #tpu.memory_space<vmem>>
    %dma_start3A_40 = arith.constant 0 : i32
    %dma_start3A_41 = tpu.memref_slice %arg5[%dma_start3A_34, %dma_start3A_40] : memref<2x640xi32, #tpu.memory_space<vmem>> -> memref<1x128xi32, #tpu.memory_space<vmem>>
    %dma_start3A_42 = tpu.memref_squeeze %dma_start3A_41 : memref<1x128xi32, #tpu.memory_space<vmem>> -> memref<128xi32, #tpu.memory_space<vmem>>
    %dma_start3A_43 = arith.constant 0 : i32
    %dma_start3A_44 = arith.constant 0 : i32
    %dma_start3A_45 = tpu.memref_slice %arg3[%dma_start3A_43, %dma_start3A_44] : memref<1000000x64xf32, #tpu.memory_space<hbm>> -> memref<1000000x64xf32, #tpu.memory_space<hbm>>
    tpu.enqueue_indirect_dma source(%dma_start3A_45 : memref<1000000x64xf32, #tpu.memory_space<hbm>>) target(%dma_start3A_39 : memref<128x64xf32, #tpu.memory_space<vmem>>) offsets(%dma_start3A_42 : memref<128xi32, #tpu.memory_space<vmem>>) semaphore(%arg7 : memref<!tpu.dma_semaphore, #tpu.memory_space<semaphore_mem>>)
    %dma_start3A_46 = arith.constant 0 : i32
    %dma_start3A_47 = arith.constant 0 : i32
    %dma_start3A_48 = arith.constant 128 : i32
    %dma_start3A_49 = arith.constant 0 : i32
    %dma_start3A_50 = tpu.memref_slice %arg6[%dma_start3A_47, %dma_start3A_48, %dma_start3A_49] : memref<2x640x64xf32, #tpu.memory_space<vmem>> -> memref<1x128x64xf32, #tpu.memory_space<vmem>>
    %dma_start3A_51 = tpu.memref_squeeze %dma_start3A_50 : memref<1x128x64xf32, #tpu.memory_space<vmem>> -> memref<128x64xf32, #tpu.memory_space<vmem>>
    %dma_start3A_52 = arith.constant 128 : i32
    %dma_start3A_53 = tpu.memref_slice %arg5[%dma_start3A_46, %dma_start3A_52] : memref<2x640xi32, #tpu.memory_space<vmem>> -> memref<1x128xi32, #tpu.memory_space<vmem>>
    %dma_start3A_54 = tpu.memref_squeeze %dma_start3A_53 : memref<1x128xi32, #tpu.memory_space<vmem>> -> memref<128xi32, #tpu.memory_space<vmem>>
    %dma_start3A_55 = arith.constant 0 : i32
    %dma_start3A_56 = arith.constant 0 : i32
    %dma_start3A_57 = tpu.memref_slice %arg3[%dma_start3A_55, %dma_start3A_56] : memref<1000000x64xf32, #tpu.memory_space<hbm>> -> memref<1000000x64xf32, #tpu.memory_space<hbm>>
    tpu.enqueue_indirect_dma source(%dma_start3A_57 : memref<1000000x64xf32, #tpu.memory_space<hbm>>) target(%dma_start3A_51 : memref<128x64xf32, #tpu.memory_space<vmem>>) offsets(%dma_start3A_54 : memref<128xi32, #tpu.memory_space<vmem>>) semaphore(%arg7 : memref<!tpu.dma_semaphore, #tpu.memory_space<semaphore_mem>>)
    %dma_start3A_58 = arith.constant 0 : i32
    %dma_start3A_59 = arith.constant 0 : i32
    %dma_start3A_60 = arith.constant 256 : i32
    %dma_start3A_61 = arith.constant 0 : i32
    %dma_start3A_62 = tpu.memref_slice %arg6[%dma_start3A_59, %dma_start3A_60, %dma_start3A_61] : memref<2x640x64xf32, #tpu.memory_space<vmem>> -> memref<1x128x64xf32, #tpu.memory_space<vmem>>
    %dma_start3A_63 = tpu.memref_squeeze %dma_start3A_62 : memref<1x128x64xf32, #tpu.memory_space<vmem>> -> memref<128x64xf32, #tpu.memory_space<vmem>>
    %dma_start3A_64 = arith.constant 256 : i32
    %dma_start3A_65 = tpu.memref_slice %arg5[%dma_start3A_58, %dma_start3A_64] : memref<2x640xi32, #tpu.memory_space<vmem>> -> memref<1x128xi32, #tpu.memory_space<vmem>>
    %dma_start3A_66 = tpu.memref_squeeze %dma_start3A_65 : memref<1x128xi32, #tpu.memory_space<vmem>> -> memref<128xi32, #tpu.memory_space<vmem>>
    %dma_start3A_67 = arith.constant 0 : i32
    %dma_start3A_68 = arith.constant 0 : i32
    %dma_start3A_69 = tpu.memref_slice %arg3[%dma_start3A_67, %dma_start3A_68] : memref<1000000x64xf32, #tpu.memory_space<hbm>> -> memref<1000000x64xf32, #tpu.memory_space<hbm>>
    tpu.enqueue_indirect_dma source(%dma_start3A_69 : memref<1000000x64xf32, #tpu.memory_space<hbm>>) target(%dma_start3A_63 : memref<128x64xf32, #tpu.memory_space<vmem>>) offsets(%dma_start3A_66 : memref<128xi32, #tpu.memory_space<vmem>>) semaphore(%arg7 : memref<!tpu.dma_semaphore, #tpu.memory_space<semaphore_mem>>)
    %dma_start3A_70 = arith.constant 0 : i32
    %dma_start3A_71 = arith.constant 0 : i32
    %dma_start3A_72 = arith.constant 384 : i32
    %dma_start3A_73 = arith.constant 0 : i32
    %dma_start3A_74 = tpu.memref_slice %arg6[%dma_start3A_71, %dma_start3A_72, %dma_start3A_73] : memref<2x640x64xf32, #tpu.memory_space<vmem>> -> memref<1x128x64xf32, #tpu.memory_space<vmem>>
    %dma_start3A_75 = tpu.memref_squeeze %dma_start3A_74 : memref<1x128x64xf32, #tpu.memory_space<vmem>> -> memref<128x64xf32, #tpu.memory_space<vmem>>
    %dma_start3A_76 = arith.constant 384 : i32
    %dma_start3A_77 = tpu.memref_slice %arg5[%dma_start3A_70, %dma_start3A_76] : memref<2x640xi32, #tpu.memory_space<vmem>> -> memref<1x128xi32, #tpu.memory_space<vmem>>
    %dma_start3A_78 = tpu.memref_squeeze %dma_start3A_77 : memref<1x128xi32, #tpu.memory_space<vmem>> -> memref<128xi32, #tpu.memory_space<vmem>>
    %dma_start3A_79 = arith.constant 0 : i32
    %dma_start3A_80 = arith.constant 0 : i32
    %dma_start3A_81 = tpu.memref_slice %arg3[%dma_start3A_79, %dma_start3A_80] : memref<1000000x64xf32, #tpu.memory_space<hbm>> -> memref<1000000x64xf32, #tpu.memory_space<hbm>>
    tpu.enqueue_indirect_dma source(%dma_start3A_81 : memref<1000000x64xf32, #tpu.memory_space<hbm>>) target(%dma_start3A_75 : memref<128x64xf32, #tpu.memory_space<vmem>>) offsets(%dma_start3A_78 : memref<128xi32, #tpu.memory_space<vmem>>) semaphore(%arg7 : memref<!tpu.dma_semaphore, #tpu.memory_space<semaphore_mem>>)
    %dma_start3A_82 = arith.constant 0 : i32
    %dma_start3A_83 = arith.constant 0 : i32
    %dma_start3A_84 = arith.constant 512 : i32
    %dma_start3A_85 = arith.constant 0 : i32
    %dma_start3A_86 = tpu.memref_slice %arg6[%dma_start3A_83, %dma_start3A_84, %dma_start3A_85] : memref<2x640x64xf32, #tpu.memory_space<vmem>> -> memref<1x128x64xf32, #tpu.memory_space<vmem>>
    %dma_start3A_87 = tpu.memref_squeeze %dma_start3A_86 : memref<1x128x64xf32, #tpu.memory_space<vmem>> -> memref<128x64xf32, #tpu.memory_space<vmem>>
    %dma_start3A_88 = arith.constant 512 : i32
    %dma_start3A_89 = tpu.memref_slice %arg5[%dma_start3A_82, %dma_start3A_88] : memref<2x640xi32, #tpu.memory_space<vmem>> -> memref<1x128xi32, #tpu.memory_space<vmem>>
    %dma_start3A_90 = tpu.memref_squeeze %dma_start3A_89 : memref<1x128xi32, #tpu.memory_space<vmem>> -> memref<128xi32, #tpu.memory_space<vmem>>
    %dma_start3A_91 = arith.constant 0 : i32
    %dma_start3A_92 = arith.constant 0 : i32
    %dma_start3A_93 = tpu.memref_slice %arg3[%dma_start3A_91, %dma_start3A_92] : memref<1000000x64xf32, #tpu.memory_space<hbm>> -> memref<1000000x64xf32, #tpu.memory_space<hbm>>
    tpu.enqueue_indirect_dma source(%dma_start3A_93 : memref<1000000x64xf32, #tpu.memory_space<hbm>>) target(%dma_start3A_87 : memref<128x64xf32, #tpu.memory_space<vmem>>) offsets(%dma_start3A_90 : memref<128xi32, #tpu.memory_space<vmem>>) semaphore(%arg7 : memref<!tpu.dma_semaphore, #tpu.memory_space<semaphore_mem>>)
    %scan3A = arith.constant 0 : i32
    %scan3A_94 = arith.constant 0 : i32
    %scan3A_95 = arith.constant 160 : i32
    %scan3A_96 = arith.addi %scan3A_94, %scan3A_95 : i32
    %scan3A_97 = arith.constant 1 : i32
    scf.for %scan3A_129 = %scan3A_94 to %scan3A_96 step %scan3A_97  : i32 {
      %jit3A = arith.constant 2 : i32
      %eq3A = arith.constant 0 : i32
      %eq3A_130 = arith.cmpi eq, %jit3A, %eq3A : i32
      %jit3A_131 = arith.constant 1 : i32
      %select_n3A = arith.select %eq3A_130, %jit3A_131, %jit3A : i32
      %rem3A = arith.remsi %scan3A_129, %select_n3A : i32
      %ne3A = arith.constant 0 : i32
      %ne3A_132 = arith.cmpi ne, %rem3A, %ne3A : i32
      %lt3A = arith.constant 0 : i32
      %lt3A_133 = arith.cmpi slt, %rem3A, %lt3A : i32
      %lt3A_134 = arith.constant 0 : i32
      %lt3A_135 = arith.cmpi slt, %select_n3A, %lt3A_134 : i32
      %ne3A_136 = arith.xori %lt3A_133, %lt3A_135 : i1
      %and3A = arith.andi %ne3A_136, %ne3A_132 : i1
      %add3A_137 = arith.addi %rem3A, %select_n3A : i32
      %select_n3A_138 = arith.select %and3A, %add3A_137, %rem3A : i32
      %eq3A_139 = arith.constant 0 : i32
      %eq3A_140 = arith.cmpi eq, %select_n3A_138, %eq3A_139 : i32
      %convert_element_type3A = arith.extui %eq3A_140 : i1 to i32
      %cond3A = arith.constant 0 : i32
      %cond3A_141 = arith.cmpi ne, %convert_element_type3A, %cond3A : i32
      scf.if %cond3A_141 {
        %add3A_142 = arith.constant 1 : i32
        %add3A_143 = arith.addi %scan3A_129, %add3A_142 : i32
        %lt3A_144 = arith.constant 160 : i32
        %lt3A_145 = arith.cmpi slt, %add3A_143, %lt3A_144 : i32
        %convert_element_type3A_146 = arith.extui %lt3A_145 : i1 to i32
        %cond3A_147 = arith.constant 0 : i32
        %cond3A_148 = arith.cmpi ne, %convert_element_type3A_146, %cond3A_147 : i32
        scf.if %cond3A_148 {
          %ge3A = arith.constant 1 : i32
          %ge3A_232 = arith.cmpi sge, %scan3A_129, %ge3A : i32
          %convert_element_type3A_233 = arith.extui %ge3A_232 : i1 to i32
          %cond3A_234 = arith.constant 0 : i32
          %cond3A_235 = arith.cmpi ne, %convert_element_type3A_233, %cond3A_234 : i32
          scf.if %cond3A_235 {
            %sub3A = arith.constant 1 : i32
            %sub3A_312 = arith.subi %scan3A_129, %sub3A : i32
            %mul3A_313 = arith.constant 640 : i32
            %mul3A_314 = arith.muli %sub3A_312, %mul3A_313 : i32
            %add3A_315 = arith.addi %mul3A_2, %mul3A_314 : i32
            %dma_wait3A_316 = arith.constant 1 : i32
            %dma_wait3A_317 = arith.constant 0 : i32
            %dma_wait3A_318 = arith.constant 0 : i32
            %dma_wait3A_319 = tpu.memref_slice %arg6[%dma_wait3A_316, %dma_wait3A_317, %dma_wait3A_318] : memref<2x640x64xf32, #tpu.memory_space<vmem>> -> memref<1x640x64xf32, #tpu.memory_space<vmem>>
            %dma_wait3A_320 = tpu.memref_squeeze %dma_wait3A_319 : memref<1x640x64xf32, #tpu.memory_space<vmem>> -> memref<640x64xf32, #tpu.memory_space<vmem>>
            %dma_wait3A_321 = arith.constant 0 : i32
            %dma_wait3A_322 = tpu.memref_slice %arg4[%add3A_315, %dma_wait3A_321] : memref<3276800x128xf32, #tpu.memory_space<hbm>> -> memref<640x64xf32, #tpu.memory_space<hbm>>
            %dma_wait3A_323 = arith.constant 0 : i32
            %dma_wait3A_324 = tpu.memref_slice %arg4[%add3A_315, %dma_wait3A_323] : memref<3276800x128xf32, #tpu.memory_space<hbm>> -> memref<640x64xf32, #tpu.memory_space<hbm>>
            %dma_wait3A_325 = arith.constant 0 : i32
            %dma_wait3A_326 = arith.constant 0 : i32
            %dma_wait3A_327 = tpu.memref_slice %arg6[%dma_wait3A_316, %dma_wait3A_325, %dma_wait3A_326] : memref<2x640x64xf32, #tpu.memory_space<vmem>> -> memref<1x640x64xf32, #tpu.memory_space<vmem>>
            %dma_wait3A_328 = tpu.memref_squeeze %dma_wait3A_327 : memref<1x640x64xf32, #tpu.memory_space<vmem>> -> memref<640x64xf32, #tpu.memory_space<vmem>>
            tpu.wait_dma2 semaphore(%arg10 : memref<!tpu.dma_semaphore, #tpu.memory_space<semaphore_mem>>) src(%dma_wait3A_328 : memref<640x64xf32, #tpu.memory_space<vmem>>) dst(%dma_wait3A_324 : memref<640x64xf32, #tpu.memory_space<hbm>>)
          } else {
          }
          %add3A_236 = arith.constant 1 : i32
          %add3A_237 = arith.addi %scan3A_129, %add3A_236 : i32
          %mul3A_238 = arith.constant 640 : i32
          %mul3A_239 = arith.muli %add3A_237, %mul3A_238 : i32
          %add3A_240 = arith.addi %mul3A_2, %mul3A_239 : i32
          %dma_wait3A_241 = arith.constant 1 : i32
          %dma_wait3A_242 = arith.constant 0 : i32
          %dma_wait3A_243 = tpu.memref_slice %arg5[%dma_wait3A_241, %dma_wait3A_242] : memref<2x640xi32, #tpu.memory_space<vmem>> -> memref<1x640xi32, #tpu.memory_space<vmem>>
          %dma_wait3A_244 = tpu.memref_squeeze %dma_wait3A_243 : memref<1x640xi32, #tpu.memory_space<vmem>> -> memref<640xi32, #tpu.memory_space<vmem>>
          %dma_wait3A_245 = tpu.memref_slice %arg2[%add3A_240] : memref<3276800xi32, #tpu.memory_space<hbm>> -> memref<640xi32, #tpu.memory_space<hbm>>
          %dma_wait3A_246 = arith.constant 0 : i32
          %dma_wait3A_247 = tpu.memref_slice %arg5[%dma_wait3A_241, %dma_wait3A_246] : memref<2x640xi32, #tpu.memory_space<vmem>> -> memref<1x640xi32, #tpu.memory_space<vmem>>
          %dma_wait3A_248 = tpu.memref_squeeze %dma_wait3A_247 : memref<1x640xi32, #tpu.memory_space<vmem>> -> memref<640xi32, #tpu.memory_space<vmem>>
          %dma_wait3A_249 = tpu.memref_slice %arg2[%add3A_240] : memref<3276800xi32, #tpu.memory_space<hbm>> -> memref<640xi32, #tpu.memory_space<hbm>>
          tpu.wait_dma2 semaphore(%arg11 : memref<!tpu.dma_semaphore, #tpu.memory_space<semaphore_mem>>) src(%dma_wait3A_249 : memref<640xi32, #tpu.memory_space<hbm>>) dst(%dma_wait3A_248 : memref<640xi32, #tpu.memory_space<vmem>>)
          %add3A_250 = arith.constant 1 : i32
          %add3A_251 = arith.addi %scan3A_129, %add3A_250 : i32
          %dma_start3A_252 = arith.constant 1 : i32
          %dma_start3A_253 = arith.constant 1 : i32
          %dma_start3A_254 = arith.constant 0 : i32
          %dma_start3A_255 = arith.constant 0 : i32
          %dma_start3A_256 = tpu.memref_slice %arg6[%dma_start3A_253, %dma_start3A_254, %dma_start3A_255] : memref<2x640x64xf32, #tpu.memory_space<vmem>> -> memref<1x128x64xf32, #tpu.memory_space<vmem>>
          %dma_start3A_257 = tpu.memref_squeeze %dma_start3A_256 : memref<1x128x64xf32, #tpu.memory_space<vmem>> -> memref<128x64xf32, #tpu.memory_space<vmem>>
          %dma_start3A_258 = arith.constant 0 : i32
          %dma_start3A_259 = tpu.memref_slice %arg5[%dma_start3A_252, %dma_start3A_258] : memref<2x640xi32, #tpu.memory_space<vmem>> -> memref<1x128xi32, #tpu.memory_space<vmem>>
          %dma_start3A_260 = tpu.memref_squeeze %dma_start3A_259 : memref<1x128xi32, #tpu.memory_space<vmem>> -> memref<128xi32, #tpu.memory_space<vmem>>
          %dma_start3A_261 = arith.constant 0 : i32
          %dma_start3A_262 = arith.constant 0 : i32
          %dma_start3A_263 = tpu.memref_slice %arg3[%dma_start3A_261, %dma_start3A_262] : memref<1000000x64xf32, #tpu.memory_space<hbm>> -> memref<1000000x64xf32, #tpu.memory_space<hbm>>
          tpu.enqueue_indirect_dma source(%dma_start3A_263 : memref<1000000x64xf32, #tpu.memory_space<hbm>>) target(%dma_start3A_257 : memref<128x64xf32, #tpu.memory_space<vmem>>) offsets(%dma_start3A_260 : memref<128xi32, #tpu.memory_space<vmem>>) semaphore(%arg8 : memref<!tpu.dma_semaphore, #tpu.memory_space<semaphore_mem>>)
          %dma_start3A_264 = arith.constant 1 : i32
          %dma_start3A_265 = arith.constant 1 : i32
          %dma_start3A_266 = arith.constant 128 : i32
          %dma_start3A_267 = arith.constant 0 : i32
          %dma_start3A_268 = tpu.memref_slice %arg6[%dma_start3A_265, %dma_start3A_266, %dma_start3A_267] : memref<2x640x64xf32, #tpu.memory_space<vmem>> -> memref<1x128x64xf32, #tpu.memory_space<vmem>>
          %dma_start3A_269 = tpu.memref_squeeze %dma_start3A_268 : memref<1x128x64xf32, #tpu.memory_space<vmem>> -> memref<128x64xf32, #tpu.memory_space<vmem>>
          %dma_start3A_270 = arith.constant 128 : i32
          %dma_start3A_271 = tpu.memref_slice %arg5[%dma_start3A_264, %dma_start3A_270] : memref<2x640xi32, #tpu.memory_space<vmem>> -> memref<1x128xi32, #tpu.memory_space<vmem>>
          %dma_start3A_272 = tpu.memref_squeeze %dma_start3A_271 : memref<1x128xi32, #tpu.memory_space<vmem>> -> memref<128xi32, #tpu.memory_space<vmem>>
          %dma_start3A_273 = arith.constant 0 : i32
          %dma_start3A_274 = arith.constant 0 : i32
          %dma_start3A_275 = tpu.memref_slice %arg3[%dma_start3A_273, %dma_start3A_274] : memref<1000000x64xf32, #tpu.memory_space<hbm>> -> memref<1000000x64xf32, #tpu.memory_space<hbm>>
          tpu.enqueue_indirect_dma source(%dma_start3A_275 : memref<1000000x64xf32, #tpu.memory_space<hbm>>) target(%dma_start3A_269 : memref<128x64xf32, #tpu.memory_space<vmem>>) offsets(%dma_start3A_272 : memref<128xi32, #tpu.memory_space<vmem>>) semaphore(%arg8 : memref<!tpu.dma_semaphore, #tpu.memory_space<semaphore_mem>>)
          %dma_start3A_276 = arith.constant 1 : i32
          %dma_start3A_277 = arith.constant 1 : i32
          %dma_start3A_278 = arith.constant 256 : i32
          %dma_start3A_279 = arith.constant 0 : i32
          %dma_start3A_280 = tpu.memref_slice %arg6[%dma_start3A_277, %dma_start3A_278, %dma_start3A_279] : memref<2x640x64xf32, #tpu.memory_space<vmem>> -> memref<1x128x64xf32, #tpu.memory_space<vmem>>
          %dma_start3A_281 = tpu.memref_squeeze %dma_start3A_280 : memref<1x128x64xf32, #tpu.memory_space<vmem>> -> memref<128x64xf32, #tpu.memory_space<vmem>>
          %dma_start3A_282 = arith.constant 256 : i32
          %dma_start3A_283 = tpu.memref_slice %arg5[%dma_start3A_276, %dma_start3A_282] : memref<2x640xi32, #tpu.memory_space<vmem>> -> memref<1x128xi32, #tpu.memory_space<vmem>>
          %dma_start3A_284 = tpu.memref_squeeze %dma_start3A_283 : memref<1x128xi32, #tpu.memory_space<vmem>> -> memref<128xi32, #tpu.memory_space<vmem>>
          %dma_start3A_285 = arith.constant 0 : i32
          %dma_start3A_286 = arith.constant 0 : i32
          %dma_start3A_287 = tpu.memref_slice %arg3[%dma_start3A_285, %dma_start3A_286] : memref<1000000x64xf32, #tpu.memory_space<hbm>> -> memref<1000000x64xf32, #tpu.memory_space<hbm>>
          tpu.enqueue_indirect_dma source(%dma_start3A_287 : memref<1000000x64xf32, #tpu.memory_space<hbm>>) target(%dma_start3A_281 : memref<128x64xf32, #tpu.memory_space<vmem>>) offsets(%dma_start3A_284 : memref<128xi32, #tpu.memory_space<vmem>>) semaphore(%arg8 : memref<!tpu.dma_semaphore, #tpu.memory_space<semaphore_mem>>)
          %dma_start3A_288 = arith.constant 1 : i32
          %dma_start3A_289 = arith.constant 1 : i32
          %dma_start3A_290 = arith.constant 384 : i32
          %dma_start3A_291 = arith.constant 0 : i32
          %dma_start3A_292 = tpu.memref_slice %arg6[%dma_start3A_289, %dma_start3A_290, %dma_start3A_291] : memref<2x640x64xf32, #tpu.memory_space<vmem>> -> memref<1x128x64xf32, #tpu.memory_space<vmem>>
          %dma_start3A_293 = tpu.memref_squeeze %dma_start3A_292 : memref<1x128x64xf32, #tpu.memory_space<vmem>> -> memref<128x64xf32, #tpu.memory_space<vmem>>
          %dma_start3A_294 = arith.constant 384 : i32
          %dma_start3A_295 = tpu.memref_slice %arg5[%dma_start3A_288, %dma_start3A_294] : memref<2x640xi32, #tpu.memory_space<vmem>> -> memref<1x128xi32, #tpu.memory_space<vmem>>
          %dma_start3A_296 = tpu.memref_squeeze %dma_start3A_295 : memref<1x128xi32, #tpu.memory_space<vmem>> -> memref<128xi32, #tpu.memory_space<vmem>>
          %dma_start3A_297 = arith.constant 0 : i32
          %dma_start3A_298 = arith.constant 0 : i32
          %dma_start3A_299 = tpu.memref_slice %arg3[%dma_start3A_297, %dma_start3A_298] : memref<1000000x64xf32, #tpu.memory_space<hbm>> -> memref<1000000x64xf32, #tpu.memory_space<hbm>>
          tpu.enqueue_indirect_dma source(%dma_start3A_299 : memref<1000000x64xf32, #tpu.memory_space<hbm>>) target(%dma_start3A_293 : memref<128x64xf32, #tpu.memory_space<vmem>>) offsets(%dma_start3A_296 : memref<128xi32, #tpu.memory_space<vmem>>) semaphore(%arg8 : memref<!tpu.dma_semaphore, #tpu.memory_space<semaphore_mem>>)
          %dma_start3A_300 = arith.constant 1 : i32
          %dma_start3A_301 = arith.constant 1 : i32
          %dma_start3A_302 = arith.constant 512 : i32
          %dma_start3A_303 = arith.constant 0 : i32
          %dma_start3A_304 = tpu.memref_slice %arg6[%dma_start3A_301, %dma_start3A_302, %dma_start3A_303] : memref<2x640x64xf32, #tpu.memory_space<vmem>> -> memref<1x128x64xf32, #tpu.memory_space<vmem>>
          %dma_start3A_305 = tpu.memref_squeeze %dma_start3A_304 : memref<1x128x64xf32, #tpu.memory_space<vmem>> -> memref<128x64xf32, #tpu.memory_space<vmem>>
          %dma_start3A_306 = arith.constant 512 : i32
          %dma_start3A_307 = tpu.memref_slice %arg5[%dma_start3A_300, %dma_start3A_306] : memref<2x640xi32, #tpu.memory_space<vmem>> -> memref<1x128xi32, #tpu.memory_space<vmem>>
          %dma_start3A_308 = tpu.memref_squeeze %dma_start3A_307 : memref<1x128xi32, #tpu.memory_space<vmem>> -> memref<128xi32, #tpu.memory_space<vmem>>
          %dma_start3A_309 = arith.constant 0 : i32
          %dma_start3A_310 = arith.constant 0 : i32
          %dma_start3A_311 = tpu.memref_slice %arg3[%dma_start3A_309, %dma_start3A_310] : memref<1000000x64xf32, #tpu.memory_space<hbm>> -> memref<1000000x64xf32, #tpu.memory_space<hbm>>
          tpu.enqueue_indirect_dma source(%dma_start3A_311 : memref<1000000x64xf32, #tpu.memory_space<hbm>>) target(%dma_start3A_305 : memref<128x64xf32, #tpu.memory_space<vmem>>) offsets(%dma_start3A_308 : memref<128xi32, #tpu.memory_space<vmem>>) semaphore(%arg8 : memref<!tpu.dma_semaphore, #tpu.memory_space<semaphore_mem>>)
        } else {
        }
        %dma_wait3A_149 = arith.constant 0 : i32
        %dma_wait3A_150 = arith.constant 0 : i32
        %dma_wait3A_151 = arith.constant 0 : i32
        %dma_wait3A_152 = arith.constant 0 : i32
        %dma_wait3A_153 = tpu.memref_slice %arg6[%dma_wait3A_150, %dma_wait3A_151, %dma_wait3A_152] : memref<2x640x64xf32, #tpu.memory_space<vmem>> -> memref<1x128x64xf32, #tpu.memory_space<vmem>>
        %dma_wait3A_154 = tpu.memref_squeeze %dma_wait3A_153 : memref<1x128x64xf32, #tpu.memory_space<vmem>> -> memref<128x64xf32, #tpu.memory_space<vmem>>
        %dma_wait3A_155 = arith.constant 0 : i32
        %dma_wait3A_156 = tpu.memref_slice %arg5[%dma_wait3A_149, %dma_wait3A_155] : memref<2x640xi32, #tpu.memory_space<vmem>> -> memref<1x128xi32, #tpu.memory_space<vmem>>
        %dma_wait3A_157 = tpu.memref_squeeze %dma_wait3A_156 : memref<1x128xi32, #tpu.memory_space<vmem>> -> memref<128xi32, #tpu.memory_space<vmem>>
        %dma_wait3A_158 = arith.constant 0 : i32
        %dma_wait3A_159 = arith.constant 0 : i32
        %dma_wait3A_160 = tpu.memref_slice %arg3[%dma_wait3A_158, %dma_wait3A_159] : memref<1000000x64xf32, #tpu.memory_space<hbm>> -> memref<1000000x64xf32, #tpu.memory_space<hbm>>
        tpu.wait_indirect_dma semaphore(%arg7 : memref<!tpu.dma_semaphore, #tpu.memory_space<semaphore_mem>>) src(%dma_wait3A_160 : memref<1000000x64xf32, #tpu.memory_space<hbm>>) dst(%dma_wait3A_154 : memref<128x64xf32, #tpu.memory_space<vmem>>)
        %dma_wait3A_161 = arith.constant 0 : i32
        %dma_wait3A_162 = arith.constant 0 : i32
        %dma_wait3A_163 = arith.constant 128 : i32
        %dma_wait3A_164 = arith.constant 0 : i32
        %dma_wait3A_165 = tpu.memref_slice %arg6[%dma_wait3A_162, %dma_wait3A_163, %dma_wait3A_164] : memref<2x640x64xf32, #tpu.memory_space<vmem>> -> memref<1x128x64xf32, #tpu.memory_space<vmem>>
        %dma_wait3A_166 = tpu.memref_squeeze %dma_wait3A_165 : memref<1x128x64xf32, #tpu.memory_space<vmem>> -> memref<128x64xf32, #tpu.memory_space<vmem>>
        %dma_wait3A_167 = arith.constant 128 : i32
        %dma_wait3A_168 = tpu.memref_slice %arg5[%dma_wait3A_161, %dma_wait3A_167] : memref<2x640xi32, #tpu.memory_space<vmem>> -> memref<1x128xi32, #tpu.memory_space<vmem>>
        %dma_wait3A_169 = tpu.memref_squeeze %dma_wait3A_168 : memref<1x128xi32, #tpu.memory_space<vmem>> -> memref<128xi32, #tpu.memory_space<vmem>>
        %dma_wait3A_170 = arith.constant 0 : i32
        %dma_wait3A_171 = arith.constant 0 : i32
        %dma_wait3A_172 = tpu.memref_slice %arg3[%dma_wait3A_170, %dma_wait3A_171] : memref<1000000x64xf32, #tpu.memory_space<hbm>> -> memref<1000000x64xf32, #tpu.memory_space<hbm>>
        tpu.wait_indirect_dma semaphore(%arg7 : memref<!tpu.dma_semaphore, #tpu.memory_space<semaphore_mem>>) src(%dma_wait3A_172 : memref<1000000x64xf32, #tpu.memory_space<hbm>>) dst(%dma_wait3A_166 : memref<128x64xf32, #tpu.memory_space<vmem>>)
        %dma_wait3A_173 = arith.constant 0 : i32
        %dma_wait3A_174 = arith.constant 0 : i32
        %dma_wait3A_175 = arith.constant 256 : i32
        %dma_wait3A_176 = arith.constant 0 : i32
        %dma_wait3A_177 = tpu.memref_slice %arg6[%dma_wait3A_174, %dma_wait3A_175, %dma_wait3A_176] : memref<2x640x64xf32, #tpu.memory_space<vmem>> -> memref<1x128x64xf32, #tpu.memory_space<vmem>>
        %dma_wait3A_178 = tpu.memref_squeeze %dma_wait3A_177 : memref<1x128x64xf32, #tpu.memory_space<vmem>> -> memref<128x64xf32, #tpu.memory_space<vmem>>
        %dma_wait3A_179 = arith.constant 256 : i32
        %dma_wait3A_180 = tpu.memref_slice %arg5[%dma_wait3A_173, %dma_wait3A_179] : memref<2x640xi32, #tpu.memory_space<vmem>> -> memref<1x128xi32, #tpu.memory_space<vmem>>
        %dma_wait3A_181 = tpu.memref_squeeze %dma_wait3A_180 : memref<1x128xi32, #tpu.memory_space<vmem>> -> memref<128xi32, #tpu.memory_space<vmem>>
        %dma_wait3A_182 = arith.constant 0 : i32
        %dma_wait3A_183 = arith.constant 0 : i32
        %dma_wait3A_184 = tpu.memref_slice %arg3[%dma_wait3A_182, %dma_wait3A_183] : memref<1000000x64xf32, #tpu.memory_space<hbm>> -> memref<1000000x64xf32, #tpu.memory_space<hbm>>
        tpu.wait_indirect_dma semaphore(%arg7 : memref<!tpu.dma_semaphore, #tpu.memory_space<semaphore_mem>>) src(%dma_wait3A_184 : memref<1000000x64xf32, #tpu.memory_space<hbm>>) dst(%dma_wait3A_178 : memref<128x64xf32, #tpu.memory_space<vmem>>)
        %dma_wait3A_185 = arith.constant 0 : i32
        %dma_wait3A_186 = arith.constant 0 : i32
        %dma_wait3A_187 = arith.constant 384 : i32
        %dma_wait3A_188 = arith.constant 0 : i32
        %dma_wait3A_189 = tpu.memref_slice %arg6[%dma_wait3A_186, %dma_wait3A_187, %dma_wait3A_188] : memref<2x640x64xf32, #tpu.memory_space<vmem>> -> memref<1x128x64xf32, #tpu.memory_space<vmem>>
        %dma_wait3A_190 = tpu.memref_squeeze %dma_wait3A_189 : memref<1x128x64xf32, #tpu.memory_space<vmem>> -> memref<128x64xf32, #tpu.memory_space<vmem>>
        %dma_wait3A_191 = arith.constant 384 : i32
        %dma_wait3A_192 = tpu.memref_slice %arg5[%dma_wait3A_185, %dma_wait3A_191] : memref<2x640xi32, #tpu.memory_space<vmem>> -> memref<1x128xi32, #tpu.memory_space<vmem>>
        %dma_wait3A_193 = tpu.memref_squeeze %dma_wait3A_192 : memref<1x128xi32, #tpu.memory_space<vmem>> -> memref<128xi32, #tpu.memory_space<vmem>>
        %dma_wait3A_194 = arith.constant 0 : i32
        %dma_wait3A_195 = arith.constant 0 : i32
        %dma_wait3A_196 = tpu.memref_slice %arg3[%dma_wait3A_194, %dma_wait3A_195] : memref<1000000x64xf32, #tpu.memory_space<hbm>> -> memref<1000000x64xf32, #tpu.memory_space<hbm>>
        tpu.wait_indirect_dma semaphore(%arg7 : memref<!tpu.dma_semaphore, #tpu.memory_space<semaphore_mem>>) src(%dma_wait3A_196 : memref<1000000x64xf32, #tpu.memory_space<hbm>>) dst(%dma_wait3A_190 : memref<128x64xf32, #tpu.memory_space<vmem>>)
        %dma_wait3A_197 = arith.constant 0 : i32
        %dma_wait3A_198 = arith.constant 0 : i32
        %dma_wait3A_199 = arith.constant 512 : i32
        %dma_wait3A_200 = arith.constant 0 : i32
        %dma_wait3A_201 = tpu.memref_slice %arg6[%dma_wait3A_198, %dma_wait3A_199, %dma_wait3A_200] : memref<2x640x64xf32, #tpu.memory_space<vmem>> -> memref<1x128x64xf32, #tpu.memory_space<vmem>>
        %dma_wait3A_202 = tpu.memref_squeeze %dma_wait3A_201 : memref<1x128x64xf32, #tpu.memory_space<vmem>> -> memref<128x64xf32, #tpu.memory_space<vmem>>
        %dma_wait3A_203 = arith.constant 512 : i32
        %dma_wait3A_204 = tpu.memref_slice %arg5[%dma_wait3A_197, %dma_wait3A_203] : memref<2x640xi32, #tpu.memory_space<vmem>> -> memref<1x128xi32, #tpu.memory_space<vmem>>
        %dma_wait3A_205 = tpu.memref_squeeze %dma_wait3A_204 : memref<1x128xi32, #tpu.memory_space<vmem>> -> memref<128xi32, #tpu.memory_space<vmem>>
        %dma_wait3A_206 = arith.constant 0 : i32
        %dma_wait3A_207 = arith.constant 0 : i32
        %dma_wait3A_208 = tpu.memref_slice %arg3[%dma_wait3A_206, %dma_wait3A_207] : memref<1000000x64xf32, #tpu.memory_space<hbm>> -> memref<1000000x64xf32, #tpu.memory_space<hbm>>
        tpu.wait_indirect_dma semaphore(%arg7 : memref<!tpu.dma_semaphore, #tpu.memory_space<semaphore_mem>>) src(%dma_wait3A_208 : memref<1000000x64xf32, #tpu.memory_space<hbm>>) dst(%dma_wait3A_202 : memref<128x64xf32, #tpu.memory_space<vmem>>)
        %mul3A_209 = arith.constant 640 : i32
        %mul3A_210 = arith.muli %scan3A_129, %mul3A_209 : i32
        %add3A_211 = arith.addi %mul3A_2, %mul3A_210 : i32
        %dma_start3A_212 = arith.constant 0 : i32
        %dma_start3A_213 = arith.constant 0 : i32
        %dma_start3A_214 = arith.constant 0 : i32
        %dma_start3A_215 = tpu.memref_slice %arg6[%dma_start3A_212, %dma_start3A_213, %dma_start3A_214] : memref<2x640x64xf32, #tpu.memory_space<vmem>> -> memref<1x640x64xf32, #tpu.memory_space<vmem>>
        %dma_start3A_216 = tpu.memref_squeeze %dma_start3A_215 : memref<1x640x64xf32, #tpu.memory_space<vmem>> -> memref<640x64xf32, #tpu.memory_space<vmem>>
        %dma_start3A_217 = arith.constant 0 : i32
        %dma_start3A_218 = tpu.memref_slice %arg4[%add3A_211, %dma_start3A_217] : memref<3276800x128xf32, #tpu.memory_space<hbm>> -> memref<640x64xf32, #tpu.memory_space<hbm>>
        %dma_start3A_219 = arith.constant 0 : i32
        %dma_start3A_220 = tpu.memref_slice %arg4[%add3A_211, %dma_start3A_219] : memref<3276800x128xf32, #tpu.memory_space<hbm>> -> memref<640x64xf32, #tpu.memory_space<hbm>>
        %dma_start3A_221 = arith.constant 0 : i32
        %dma_start3A_222 = arith.constant 0 : i32
        %dma_start3A_223 = tpu.memref_slice %arg6[%dma_start3A_212, %dma_start3A_221, %dma_start3A_222] : memref<2x640x64xf32, #tpu.memory_space<vmem>> -> memref<1x640x64xf32, #tpu.memory_space<vmem>>
        %dma_start3A_224 = tpu.memref_squeeze %dma_start3A_223 : memref<1x640x64xf32, #tpu.memory_space<vmem>> -> memref<640x64xf32, #tpu.memory_space<vmem>>
        tpu.enqueue_dma source(%dma_start3A_224 : memref<640x64xf32, #tpu.memory_space<vmem>>) target(%dma_start3A_220 : memref<640x64xf32, #tpu.memory_space<hbm>>) target_semaphore(%arg9 : memref<!tpu.dma_semaphore, #tpu.memory_space<semaphore_mem>>)
        %add3A_225 = arith.constant 2 : i32
        %add3A_226 = arith.addi %scan3A_129, %add3A_225 : i32
        %lt3A_227 = arith.constant 160 : i32
        %lt3A_228 = arith.cmpi slt, %add3A_226, %lt3A_227 : i32
        %convert_element_type3A_229 = arith.extui %lt3A_228 : i1 to i32
        %cond3A_230 = arith.constant 0 : i32
        %cond3A_231 = arith.cmpi ne, %convert_element_type3A_229, %cond3A_230 : i32
        scf.if %cond3A_231 {
          %add3A_232 = arith.constant 2 : i32
          %add3A_233 = arith.addi %scan3A_129, %add3A_232 : i32
          %mul3A_234 = arith.constant 640 : i32
          %mul3A_235 = arith.muli %add3A_233, %mul3A_234 : i32
          %add3A_236 = arith.addi %mul3A_2, %mul3A_235 : i32
          %dma_start3A_237 = arith.constant 0 : i32
          %dma_start3A_238 = arith.constant 0 : i32
          %dma_start3A_239 = tpu.memref_slice %arg5[%dma_start3A_237, %dma_start3A_238] : memref<2x640xi32, #tpu.memory_space<vmem>> -> memref<1x640xi32, #tpu.memory_space<vmem>>
          %dma_start3A_240 = tpu.memref_squeeze %dma_start3A_239 : memref<1x640xi32, #tpu.memory_space<vmem>> -> memref<640xi32, #tpu.memory_space<vmem>>
          %dma_start3A_241 = tpu.memref_slice %arg2[%add3A_236] : memref<3276800xi32, #tpu.memory_space<hbm>> -> memref<640xi32, #tpu.memory_space<hbm>>
          %dma_start3A_242 = arith.constant 0 : i32
          %dma_start3A_243 = tpu.memref_slice %arg5[%dma_start3A_237, %dma_start3A_242] : memref<2x640xi32, #tpu.memory_space<vmem>> -> memref<1x640xi32, #tpu.memory_space<vmem>>
          %dma_start3A_244 = tpu.memref_squeeze %dma_start3A_243 : memref<1x640xi32, #tpu.memory_space<vmem>> -> memref<640xi32, #tpu.memory_space<vmem>>
          %dma_start3A_245 = tpu.memref_slice %arg2[%add3A_236] : memref<3276800xi32, #tpu.memory_space<hbm>> -> memref<640xi32, #tpu.memory_space<hbm>>
          tpu.enqueue_dma source(%dma_start3A_245 : memref<640xi32, #tpu.memory_space<hbm>>) target(%dma_start3A_244 : memref<640xi32, #tpu.memory_space<vmem>>) target_semaphore(%arg11 : memref<!tpu.dma_semaphore, #tpu.memory_space<semaphore_mem>>)
        } else {
        }
      } else {
        %add3A_142 = arith.constant 1 : i32
        %add3A_143 = arith.addi %scan3A_129, %add3A_142 : i32
        %lt3A_144 = arith.constant 160 : i32
        %lt3A_145 = arith.cmpi slt, %add3A_143, %lt3A_144 : i32
        %convert_element_type3A_146 = arith.extui %lt3A_145 : i1 to i32
        %cond3A_147 = arith.constant 0 : i32
        %cond3A_148 = arith.cmpi ne, %convert_element_type3A_146, %cond3A_147 : i32
        scf.if %cond3A_148 {
          %ge3A = arith.constant 1 : i32
          %ge3A_232 = arith.cmpi sge, %scan3A_129, %ge3A : i32
          %convert_element_type3A_233 = arith.extui %ge3A_232 : i1 to i32
          %cond3A_234 = arith.constant 0 : i32
          %cond3A_235 = arith.cmpi ne, %convert_element_type3A_233, %cond3A_234 : i32
          scf.if %cond3A_235 {
            %sub3A = arith.constant 1 : i32
            %sub3A_312 = arith.subi %scan3A_129, %sub3A : i32
            %mul3A_313 = arith.constant 640 : i32
            %mul3A_314 = arith.muli %sub3A_312, %mul3A_313 : i32
            %add3A_315 = arith.addi %mul3A_2, %mul3A_314 : i32
            %dma_wait3A_316 = arith.constant 0 : i32
            %dma_wait3A_317 = arith.constant 0 : i32
            %dma_wait3A_318 = arith.constant 0 : i32
            %dma_wait3A_319 = tpu.memref_slice %arg6[%dma_wait3A_316, %dma_wait3A_317, %dma_wait3A_318] : memref<2x640x64xf32, #tpu.memory_space<vmem>> -> memref<1x640x64xf32, #tpu.memory_space<vmem>>
            %dma_wait3A_320 = tpu.memref_squeeze %dma_wait3A_319 : memref<1x640x64xf32, #tpu.memory_space<vmem>> -> memref<640x64xf32, #tpu.memory_space<vmem>>
            %dma_wait3A_321 = arith.constant 0 : i32
            %dma_wait3A_322 = tpu.memref_slice %arg4[%add3A_315, %dma_wait3A_321] : memref<3276800x128xf32, #tpu.memory_space<hbm>> -> memref<640x64xf32, #tpu.memory_space<hbm>>
            %dma_wait3A_323 = arith.constant 0 : i32
            %dma_wait3A_324 = tpu.memref_slice %arg4[%add3A_315, %dma_wait3A_323] : memref<3276800x128xf32, #tpu.memory_space<hbm>> -> memref<640x64xf32, #tpu.memory_space<hbm>>
            %dma_wait3A_325 = arith.constant 0 : i32
            %dma_wait3A_326 = arith.constant 0 : i32
            %dma_wait3A_327 = tpu.memref_slice %arg6[%dma_wait3A_316, %dma_wait3A_325, %dma_wait3A_326] : memref<2x640x64xf32, #tpu.memory_space<vmem>> -> memref<1x640x64xf32, #tpu.memory_space<vmem>>
            %dma_wait3A_328 = tpu.memref_squeeze %dma_wait3A_327 : memref<1x640x64xf32, #tpu.memory_space<vmem>> -> memref<640x64xf32, #tpu.memory_space<vmem>>
            tpu.wait_dma2 semaphore(%arg9 : memref<!tpu.dma_semaphore, #tpu.memory_space<semaphore_mem>>) src(%dma_wait3A_328 : memref<640x64xf32, #tpu.memory_space<vmem>>) dst(%dma_wait3A_324 : memref<640x64xf32, #tpu.memory_space<hbm>>)
          } else {
          }
          %add3A_236 = arith.constant 1 : i32
          %add3A_237 = arith.addi %scan3A_129, %add3A_236 : i32
          %mul3A_238 = arith.constant 640 : i32
          %mul3A_239 = arith.muli %add3A_237, %mul3A_238 : i32
          %add3A_240 = arith.addi %mul3A_2, %mul3A_239 : i32
          %dma_wait3A_241 = arith.constant 0 : i32
          %dma_wait3A_242 = arith.constant 0 : i32
          %dma_wait3A_243 = tpu.memref_slice %arg5[%dma_wait3A_241, %dma_wait3A_242] : memref<2x640xi32, #tpu.memory_space<vmem>> -> memref<1x640xi32, #tpu.memory_space<vmem>>
          %dma_wait3A_244 = tpu.memref_squeeze %dma_wait3A_243 : memref<1x640xi32, #tpu.memory_space<vmem>> -> memref<640xi32, #tpu.memory_space<vmem>>
          %dma_wait3A_245 = tpu.memref_slice %arg2[%add3A_240] : memref<3276800xi32, #tpu.memory_space<hbm>> -> memref<640xi32, #tpu.memory_space<hbm>>
          %dma_wait3A_246 = arith.constant 0 : i32
          %dma_wait3A_247 = tpu.memref_slice %arg5[%dma_wait3A_241, %dma_wait3A_246] : memref<2x640xi32, #tpu.memory_space<vmem>> -> memref<1x640xi32, #tpu.memory_space<vmem>>
          %dma_wait3A_248 = tpu.memref_squeeze %dma_wait3A_247 : memref<1x640xi32, #tpu.memory_space<vmem>> -> memref<640xi32, #tpu.memory_space<vmem>>
          %dma_wait3A_249 = tpu.memref_slice %arg2[%add3A_240] : memref<3276800xi32, #tpu.memory_space<hbm>> -> memref<640xi32, #tpu.memory_space<hbm>>
          tpu.wait_dma2 semaphore(%arg11 : memref<!tpu.dma_semaphore, #tpu.memory_space<semaphore_mem>>) src(%dma_wait3A_249 : memref<640xi32, #tpu.memory_space<hbm>>) dst(%dma_wait3A_248 : memref<640xi32, #tpu.memory_space<vmem>>)
          %add3A_250 = arith.constant 1 : i32
          %add3A_251 = arith.addi %scan3A_129, %add3A_250 : i32
          %dma_start3A_252 = arith.constant 0 : i32
          %dma_start3A_253 = arith.constant 0 : i32
          %dma_start3A_254 = arith.constant 0 : i32
          %dma_start3A_255 = arith.constant 0 : i32
          %dma_start3A_256 = tpu.memref_slice %arg6[%dma_start3A_253, %dma_start3A_254, %dma_start3A_255] : memref<2x640x64xf32, #tpu.memory_space<vmem>> -> memref<1x128x64xf32, #tpu.memory_space<vmem>>
          %dma_start3A_257 = tpu.memref_squeeze %dma_start3A_256 : memref<1x128x64xf32, #tpu.memory_space<vmem>> -> memref<128x64xf32, #tpu.memory_space<vmem>>
          %dma_start3A_258 = arith.constant 0 : i32
          %dma_start3A_259 = tpu.memref_slice %arg5[%dma_start3A_252, %dma_start3A_258] : memref<2x640xi32, #tpu.memory_space<vmem>> -> memref<1x128xi32, #tpu.memory_space<vmem>>
          %dma_start3A_260 = tpu.memref_squeeze %dma_start3A_259 : memref<1x128xi32, #tpu.memory_space<vmem>> -> memref<128xi32, #tpu.memory_space<vmem>>
          %dma_start3A_261 = arith.constant 0 : i32
          %dma_start3A_262 = arith.constant 0 : i32
          %dma_start3A_263 = tpu.memref_slice %arg3[%dma_start3A_261, %dma_start3A_262] : memref<1000000x64xf32, #tpu.memory_space<hbm>> -> memref<1000000x64xf32, #tpu.memory_space<hbm>>
          tpu.enqueue_indirect_dma source(%dma_start3A_263 : memref<1000000x64xf32, #tpu.memory_space<hbm>>) target(%dma_start3A_257 : memref<128x64xf32, #tpu.memory_space<vmem>>) offsets(%dma_start3A_260 : memref<128xi32, #tpu.memory_space<vmem>>) semaphore(%arg7 : memref<!tpu.dma_semaphore, #tpu.memory_space<semaphore_mem>>)
          %dma_start3A_264 = arith.constant 0 : i32
          %dma_start3A_265 = arith.constant 0 : i32
          %dma_start3A_266 = arith.constant 128 : i32
          %dma_start3A_267 = arith.constant 0 : i32
          %dma_start3A_268 = tpu.memref_slice %arg6[%dma_start3A_265, %dma_start3A_266, %dma_start3A_267] : memref<2x640x64xf32, #tpu.memory_space<vmem>> -> memref<1x128x64xf32, #tpu.memory_space<vmem>>
          %dma_start3A_269 = tpu.memref_squeeze %dma_start3A_268 : memref<1x128x64xf32, #tpu.memory_space<vmem>> -> memref<128x64xf32, #tpu.memory_space<vmem>>
          %dma_start3A_270 = arith.constant 128 : i32
          %dma_start3A_271 = tpu.memref_slice %arg5[%dma_start3A_264, %dma_start3A_270] : memref<2x640xi32, #tpu.memory_space<vmem>> -> memref<1x128xi32, #tpu.memory_space<vmem>>
          %dma_start3A_272 = tpu.memref_squeeze %dma_start3A_271 : memref<1x128xi32, #tpu.memory_space<vmem>> -> memref<128xi32, #tpu.memory_space<vmem>>
          %dma_start3A_273 = arith.constant 0 : i32
          %dma_start3A_274 = arith.constant 0 : i32
          %dma_start3A_275 = tpu.memref_slice %arg3[%dma_start3A_273, %dma_start3A_274] : memref<1000000x64xf32, #tpu.memory_space<hbm>> -> memref<1000000x64xf32, #tpu.memory_space<hbm>>
          tpu.enqueue_indirect_dma source(%dma_start3A_275 : memref<1000000x64xf32, #tpu.memory_space<hbm>>) target(%dma_start3A_269 : memref<128x64xf32, #tpu.memory_space<vmem>>) offsets(%dma_start3A_272 : memref<128xi32, #tpu.memory_space<vmem>>) semaphore(%arg7 : memref<!tpu.dma_semaphore, #tpu.memory_space<semaphore_mem>>)
          %dma_start3A_276 = arith.constant 0 : i32
          %dma_start3A_277 = arith.constant 0 : i32
          %dma_start3A_278 = arith.constant 256 : i32
          %dma_start3A_279 = arith.constant 0 : i32
          %dma_start3A_280 = tpu.memref_slice %arg6[%dma_start3A_277, %dma_start3A_278, %dma_start3A_279] : memref<2x640x64xf32, #tpu.memory_space<vmem>> -> memref<1x128x64xf32, #tpu.memory_space<vmem>>
          %dma_start3A_281 = tpu.memref_squeeze %dma_start3A_280 : memref<1x128x64xf32, #tpu.memory_space<vmem>> -> memref<128x64xf32, #tpu.memory_space<vmem>>
          %dma_start3A_282 = arith.constant 256 : i32
          %dma_start3A_283 = tpu.memref_slice %arg5[%dma_start3A_276, %dma_start3A_282] : memref<2x640xi32, #tpu.memory_space<vmem>> -> memref<1x128xi32, #tpu.memory_space<vmem>>
          %dma_start3A_284 = tpu.memref_squeeze %dma_start3A_283 : memref<1x128xi32, #tpu.memory_space<vmem>> -> memref<128xi32, #tpu.memory_space<vmem>>
          %dma_start3A_285 = arith.constant 0 : i32
          %dma_start3A_286 = arith.constant 0 : i32
          %dma_start3A_287 = tpu.memref_slice %arg3[%dma_start3A_285, %dma_start3A_286] : memref<1000000x64xf32, #tpu.memory_space<hbm>> -> memref<1000000x64xf32, #tpu.memory_space<hbm>>
          tpu.enqueue_indirect_dma source(%dma_start3A_287 : memref<1000000x64xf32, #tpu.memory_space<hbm>>) target(%dma_start3A_281 : memref<128x64xf32, #tpu.memory_space<vmem>>) offsets(%dma_start3A_284 : memref<128xi32, #tpu.memory_space<vmem>>) semaphore(%arg7 : memref<!tpu.dma_semaphore, #tpu.memory_space<semaphore_mem>>)
          %dma_start3A_288 = arith.constant 0 : i32
          %dma_start3A_289 = arith.constant 0 : i32
          %dma_start3A_290 = arith.constant 384 : i32
          %dma_start3A_291 = arith.constant 0 : i32
          %dma_start3A_292 = tpu.memref_slice %arg6[%dma_start3A_289, %dma_start3A_290, %dma_start3A_291] : memref<2x640x64xf32, #tpu.memory_space<vmem>> -> memref<1x128x64xf32, #tpu.memory_space<vmem>>
          %dma_start3A_293 = tpu.memref_squeeze %dma_start3A_292 : memref<1x128x64xf32, #tpu.memory_space<vmem>> -> memref<128x64xf32, #tpu.memory_space<vmem>>
          %dma_start3A_294 = arith.constant 384 : i32
          %dma_start3A_295 = tpu.memref_slice %arg5[%dma_start3A_288, %dma_start3A_294] : memref<2x640xi32, #tpu.memory_space<vmem>> -> memref<1x128xi32, #tpu.memory_space<vmem>>
          %dma_start3A_296 = tpu.memref_squeeze %dma_start3A_295 : memref<1x128xi32, #tpu.memory_space<vmem>> -> memref<128xi32, #tpu.memory_space<vmem>>
          %dma_start3A_297 = arith.constant 0 : i32
          %dma_start3A_298 = arith.constant 0 : i32
          %dma_start3A_299 = tpu.memref_slice %arg3[%dma_start3A_297, %dma_start3A_298] : memref<1000000x64xf32, #tpu.memory_space<hbm>> -> memref<1000000x64xf32, #tpu.memory_space<hbm>>
          tpu.enqueue_indirect_dma source(%dma_start3A_299 : memref<1000000x64xf32, #tpu.memory_space<hbm>>) target(%dma_start3A_293 : memref<128x64xf32, #tpu.memory_space<vmem>>) offsets(%dma_start3A_296 : memref<128xi32, #tpu.memory_space<vmem>>) semaphore(%arg7 : memref<!tpu.dma_semaphore, #tpu.memory_space<semaphore_mem>>)
          %dma_start3A_300 = arith.constant 0 : i32
          %dma_start3A_301 = arith.constant 0 : i32
          %dma_start3A_302 = arith.constant 512 : i32
          %dma_start3A_303 = arith.constant 0 : i32
          %dma_start3A_304 = tpu.memref_slice %arg6[%dma_start3A_301, %dma_start3A_302, %dma_start3A_303] : memref<2x640x64xf32, #tpu.memory_space<vmem>> -> memref<1x128x64xf32, #tpu.memory_space<vmem>>
          %dma_start3A_305 = tpu.memref_squeeze %dma_start3A_304 : memref<1x128x64xf32, #tpu.memory_space<vmem>> -> memref<128x64xf32, #tpu.memory_space<vmem>>
          %dma_start3A_306 = arith.constant 512 : i32
          %dma_start3A_307 = tpu.memref_slice %arg5[%dma_start3A_300, %dma_start3A_306] : memref<2x640xi32, #tpu.memory_space<vmem>> -> memref<1x128xi32, #tpu.memory_space<vmem>>
          %dma_start3A_308 = tpu.memref_squeeze %dma_start3A_307 : memref<1x128xi32, #tpu.memory_space<vmem>> -> memref<128xi32, #tpu.memory_space<vmem>>
          %dma_start3A_309 = arith.constant 0 : i32
          %dma_start3A_310 = arith.constant 0 : i32
          %dma_start3A_311 = tpu.memref_slice %arg3[%dma_start3A_309, %dma_start3A_310] : memref<1000000x64xf32, #tpu.memory_space<hbm>> -> memref<1000000x64xf32, #tpu.memory_space<hbm>>
          tpu.enqueue_indirect_dma source(%dma_start3A_311 : memref<1000000x64xf32, #tpu.memory_space<hbm>>) target(%dma_start3A_305 : memref<128x64xf32, #tpu.memory_space<vmem>>) offsets(%dma_start3A_308 : memref<128xi32, #tpu.memory_space<vmem>>) semaphore(%arg7 : memref<!tpu.dma_semaphore, #tpu.memory_space<semaphore_mem>>)
        } else {
        }
        %dma_wait3A_149 = arith.constant 1 : i32
        %dma_wait3A_150 = arith.constant 1 : i32
        %dma_wait3A_151 = arith.constant 0 : i32
        %dma_wait3A_152 = arith.constant 0 : i32
        %dma_wait3A_153 = tpu.memref_slice %arg6[%dma_wait3A_150, %dma_wait3A_151, %dma_wait3A_152] : memref<2x640x64xf32, #tpu.memory_space<vmem>> -> memref<1x128x64xf32, #tpu.memory_space<vmem>>
        %dma_wait3A_154 = tpu.memref_squeeze %dma_wait3A_153 : memref<1x128x64xf32, #tpu.memory_space<vmem>> -> memref<128x64xf32, #tpu.memory_space<vmem>>
        %dma_wait3A_155 = arith.constant 0 : i32
        %dma_wait3A_156 = tpu.memref_slice %arg5[%dma_wait3A_149, %dma_wait3A_155] : memref<2x640xi32, #tpu.memory_space<vmem>> -> memref<1x128xi32, #tpu.memory_space<vmem>>
        %dma_wait3A_157 = tpu.memref_squeeze %dma_wait3A_156 : memref<1x128xi32, #tpu.memory_space<vmem>> -> memref<128xi32, #tpu.memory_space<vmem>>
        %dma_wait3A_158 = arith.constant 0 : i32
        %dma_wait3A_159 = arith.constant 0 : i32
        %dma_wait3A_160 = tpu.memref_slice %arg3[%dma_wait3A_158, %dma_wait3A_159] : memref<1000000x64xf32, #tpu.memory_space<hbm>> -> memref<1000000x64xf32, #tpu.memory_space<hbm>>
        tpu.wait_indirect_dma semaphore(%arg8 : memref<!tpu.dma_semaphore, #tpu.memory_space<semaphore_mem>>) src(%dma_wait3A_160 : memref<1000000x64xf32, #tpu.memory_space<hbm>>) dst(%dma_wait3A_154 : memref<128x64xf32, #tpu.memory_space<vmem>>)
        %dma_wait3A_161 = arith.constant 1 : i32
        %dma_wait3A_162 = arith.constant 1 : i32
        %dma_wait3A_163 = arith.constant 128 : i32
        %dma_wait3A_164 = arith.constant 0 : i32
        %dma_wait3A_165 = tpu.memref_slice %arg6[%dma_wait3A_162, %dma_wait3A_163, %dma_wait3A_164] : memref<2x640x64xf32, #tpu.memory_space<vmem>> -> memref<1x128x64xf32, #tpu.memory_space<vmem>>
        %dma_wait3A_166 = tpu.memref_squeeze %dma_wait3A_165 : memref<1x128x64xf32, #tpu.memory_space<vmem>> -> memref<128x64xf32, #tpu.memory_space<vmem>>
        %dma_wait3A_167 = arith.constant 128 : i32
        %dma_wait3A_168 = tpu.memref_slice %arg5[%dma_wait3A_161, %dma_wait3A_167] : memref<2x640xi32, #tpu.memory_space<vmem>> -> memref<1x128xi32, #tpu.memory_space<vmem>>
        %dma_wait3A_169 = tpu.memref_squeeze %dma_wait3A_168 : memref<1x128xi32, #tpu.memory_space<vmem>> -> memref<128xi32, #tpu.memory_space<vmem>>
        %dma_wait3A_170 = arith.constant 0 : i32
        %dma_wait3A_171 = arith.constant 0 : i32
        %dma_wait3A_172 = tpu.memref_slice %arg3[%dma_wait3A_170, %dma_wait3A_171] : memref<1000000x64xf32, #tpu.memory_space<hbm>> -> memref<1000000x64xf32, #tpu.memory_space<hbm>>
        tpu.wait_indirect_dma semaphore(%arg8 : memref<!tpu.dma_semaphore, #tpu.memory_space<semaphore_mem>>) src(%dma_wait3A_172 : memref<1000000x64xf32, #tpu.memory_space<hbm>>) dst(%dma_wait3A_166 : memref<128x64xf32, #tpu.memory_space<vmem>>)
        %dma_wait3A_173 = arith.constant 1 : i32
        %dma_wait3A_174 = arith.constant 1 : i32
        %dma_wait3A_175 = arith.constant 256 : i32
        %dma_wait3A_176 = arith.constant 0 : i32
        %dma_wait3A_177 = tpu.memref_slice %arg6[%dma_wait3A_174, %dma_wait3A_175, %dma_wait3A_176] : memref<2x640x64xf32, #tpu.memory_space<vmem>> -> memref<1x128x64xf32, #tpu.memory_space<vmem>>
        %dma_wait3A_178 = tpu.memref_squeeze %dma_wait3A_177 : memref<1x128x64xf32, #tpu.memory_space<vmem>> -> memref<128x64xf32, #tpu.memory_space<vmem>>
        %dma_wait3A_179 = arith.constant 256 : i32
        %dma_wait3A_180 = tpu.memref_slice %arg5[%dma_wait3A_173, %dma_wait3A_179] : memref<2x640xi32, #tpu.memory_space<vmem>> -> memref<1x128xi32, #tpu.memory_space<vmem>>
        %dma_wait3A_181 = tpu.memref_squeeze %dma_wait3A_180 : memref<1x128xi32, #tpu.memory_space<vmem>> -> memref<128xi32, #tpu.memory_space<vmem>>
        %dma_wait3A_182 = arith.constant 0 : i32
        %dma_wait3A_183 = arith.constant 0 : i32
        %dma_wait3A_184 = tpu.memref_slice %arg3[%dma_wait3A_182, %dma_wait3A_183] : memref<1000000x64xf32, #tpu.memory_space<hbm>> -> memref<1000000x64xf32, #tpu.memory_space<hbm>>
        tpu.wait_indirect_dma semaphore(%arg8 : memref<!tpu.dma_semaphore, #tpu.memory_space<semaphore_mem>>) src(%dma_wait3A_184 : memref<1000000x64xf32, #tpu.memory_space<hbm>>) dst(%dma_wait3A_178 : memref<128x64xf32, #tpu.memory_space<vmem>>)
        %dma_wait3A_185 = arith.constant 1 : i32
        %dma_wait3A_186 = arith.constant 1 : i32
        %dma_wait3A_187 = arith.constant 384 : i32
        %dma_wait3A_188 = arith.constant 0 : i32
        %dma_wait3A_189 = tpu.memref_slice %arg6[%dma_wait3A_186, %dma_wait3A_187, %dma_wait3A_188] : memref<2x640x64xf32, #tpu.memory_space<vmem>> -> memref<1x128x64xf32, #tpu.memory_space<vmem>>
        %dma_wait3A_190 = tpu.memref_squeeze %dma_wait3A_189 : memref<1x128x64xf32, #tpu.memory_space<vmem>> -> memref<128x64xf32, #tpu.memory_space<vmem>>
        %dma_wait3A_191 = arith.constant 384 : i32
        %dma_wait3A_192 = tpu.memref_slice %arg5[%dma_wait3A_185, %dma_wait3A_191] : memref<2x640xi32, #tpu.memory_space<vmem>> -> memref<1x128xi32, #tpu.memory_space<vmem>>
        %dma_wait3A_193 = tpu.memref_squeeze %dma_wait3A_192 : memref<1x128xi32, #tpu.memory_space<vmem>> -> memref<128xi32, #tpu.memory_space<vmem>>
        %dma_wait3A_194 = arith.constant 0 : i32
        %dma_wait3A_195 = arith.constant 0 : i32
        %dma_wait3A_196 = tpu.memref_slice %arg3[%dma_wait3A_194, %dma_wait3A_195] : memref<1000000x64xf32, #tpu.memory_space<hbm>> -> memref<1000000x64xf32, #tpu.memory_space<hbm>>
        tpu.wait_indirect_dma semaphore(%arg8 : memref<!tpu.dma_semaphore, #tpu.memory_space<semaphore_mem>>) src(%dma_wait3A_196 : memref<1000000x64xf32, #tpu.memory_space<hbm>>) dst(%dma_wait3A_190 : memref<128x64xf32, #tpu.memory_space<vmem>>)
        %dma_wait3A_197 = arith.constant 1 : i32
        %dma_wait3A_198 = arith.constant 1 : i32
        %dma_wait3A_199 = arith.constant 512 : i32
        %dma_wait3A_200 = arith.constant 0 : i32
        %dma_wait3A_201 = tpu.memref_slice %arg6[%dma_wait3A_198, %dma_wait3A_199, %dma_wait3A_200] : memref<2x640x64xf32, #tpu.memory_space<vmem>> -> memref<1x128x64xf32, #tpu.memory_space<vmem>>
        %dma_wait3A_202 = tpu.memref_squeeze %dma_wait3A_201 : memref<1x128x64xf32, #tpu.memory_space<vmem>> -> memref<128x64xf32, #tpu.memory_space<vmem>>
        %dma_wait3A_203 = arith.constant 512 : i32
        %dma_wait3A_204 = tpu.memref_slice %arg5[%dma_wait3A_197, %dma_wait3A_203] : memref<2x640xi32, #tpu.memory_space<vmem>> -> memref<1x128xi32, #tpu.memory_space<vmem>>
        %dma_wait3A_205 = tpu.memref_squeeze %dma_wait3A_204 : memref<1x128xi32, #tpu.memory_space<vmem>> -> memref<128xi32, #tpu.memory_space<vmem>>
        %dma_wait3A_206 = arith.constant 0 : i32
        %dma_wait3A_207 = arith.constant 0 : i32
        %dma_wait3A_208 = tpu.memref_slice %arg3[%dma_wait3A_206, %dma_wait3A_207] : memref<1000000x64xf32, #tpu.memory_space<hbm>> -> memref<1000000x64xf32, #tpu.memory_space<hbm>>
        tpu.wait_indirect_dma semaphore(%arg8 : memref<!tpu.dma_semaphore, #tpu.memory_space<semaphore_mem>>) src(%dma_wait3A_208 : memref<1000000x64xf32, #tpu.memory_space<hbm>>) dst(%dma_wait3A_202 : memref<128x64xf32, #tpu.memory_space<vmem>>)
        %mul3A_209 = arith.constant 640 : i32
        %mul3A_210 = arith.muli %scan3A_129, %mul3A_209 : i32
        %add3A_211 = arith.addi %mul3A_2, %mul3A_210 : i32
        %dma_start3A_212 = arith.constant 1 : i32
        %dma_start3A_213 = arith.constant 0 : i32
        %dma_start3A_214 = arith.constant 0 : i32
        %dma_start3A_215 = tpu.memref_slice %arg6[%dma_start3A_212, %dma_start3A_213, %dma_start3A_214] : memref<2x640x64xf32, #tpu.memory_space<vmem>> -> memref<1x640x64xf32, #tpu.memory_space<vmem>>
        %dma_start3A_216 = tpu.memref_squeeze %dma_start3A_215 : memref<1x640x64xf32, #tpu.memory_space<vmem>> -> memref<640x64xf32, #tpu.memory_space<vmem>>
        %dma_start3A_217 = arith.constant 0 : i32
        %dma_start3A_218 = tpu.memref_slice %arg4[%add3A_211, %dma_start3A_217] : memref<3276800x128xf32, #tpu.memory_space<hbm>> -> memref<640x64xf32, #tpu.memory_space<hbm>>
        %dma_start3A_219 = arith.constant 0 : i32
        %dma_start3A_220 = tpu.memref_slice %arg4[%add3A_211, %dma_start3A_219] : memref<3276800x128xf32, #tpu.memory_space<hbm>> -> memref<640x64xf32, #tpu.memory_space<hbm>>
        %dma_start3A_221 = arith.constant 0 : i32
        %dma_start3A_222 = arith.constant 0 : i32
        %dma_start3A_223 = tpu.memref_slice %arg6[%dma_start3A_212, %dma_start3A_221, %dma_start3A_222] : memref<2x640x64xf32, #tpu.memory_space<vmem>> -> memref<1x640x64xf32, #tpu.memory_space<vmem>>
        %dma_start3A_224 = tpu.memref_squeeze %dma_start3A_223 : memref<1x640x64xf32, #tpu.memory_space<vmem>> -> memref<640x64xf32, #tpu.memory_space<vmem>>
        tpu.enqueue_dma source(%dma_start3A_224 : memref<640x64xf32, #tpu.memory_space<vmem>>) target(%dma_start3A_220 : memref<640x64xf32, #tpu.memory_space<hbm>>) target_semaphore(%arg10 : memref<!tpu.dma_semaphore, #tpu.memory_space<semaphore_mem>>)
        %add3A_225 = arith.constant 2 : i32
        %add3A_226 = arith.addi %scan3A_129, %add3A_225 : i32
        %lt3A_227 = arith.constant 160 : i32
        %lt3A_228 = arith.cmpi slt, %add3A_226, %lt3A_227 : i32
        %convert_element_type3A_229 = arith.extui %lt3A_228 : i1 to i32
        %cond3A_230 = arith.constant 0 : i32
        %cond3A_231 = arith.cmpi ne, %convert_element_type3A_229, %cond3A_230 : i32
        scf.if %cond3A_231 {
          %add3A_232 = arith.constant 2 : i32
          %add3A_233 = arith.addi %scan3A_129, %add3A_232 : i32
          %mul3A_234 = arith.constant 640 : i32
          %mul3A_235 = arith.muli %add3A_233, %mul3A_234 : i32
          %add3A_236 = arith.addi %mul3A_2, %mul3A_235 : i32
          %dma_start3A_237 = arith.constant 1 : i32
          %dma_start3A_238 = arith.constant 0 : i32
          %dma_start3A_239 = tpu.memref_slice %arg5[%dma_start3A_237, %dma_start3A_238] : memref<2x640xi32, #tpu.memory_space<vmem>> -> memref<1x640xi32, #tpu.memory_space<vmem>>
          %dma_start3A_240 = tpu.memref_squeeze %dma_start3A_239 : memref<1x640xi32, #tpu.memory_space<vmem>> -> memref<640xi32, #tpu.memory_space<vmem>>
          %dma_start3A_241 = tpu.memref_slice %arg2[%add3A_236] : memref<3276800xi32, #tpu.memory_space<hbm>> -> memref<640xi32, #tpu.memory_space<hbm>>
          %dma_start3A_242 = arith.constant 0 : i32
          %dma_start3A_243 = tpu.memref_slice %arg5[%dma_start3A_237, %dma_start3A_242] : memref<2x640xi32, #tpu.memory_space<vmem>> -> memref<1x640xi32, #tpu.memory_space<vmem>>
          %dma_start3A_244 = tpu.memref_squeeze %dma_start3A_243 : memref<1x640xi32, #tpu.memory_space<vmem>> -> memref<640xi32, #tpu.memory_space<vmem>>
          %dma_start3A_245 = tpu.memref_slice %arg2[%add3A_236] : memref<3276800xi32, #tpu.memory_space<hbm>> -> memref<640xi32, #tpu.memory_space<hbm>>
          tpu.enqueue_dma source(%dma_start3A_245 : memref<640xi32, #tpu.memory_space<hbm>>) target(%dma_start3A_244 : memref<640xi32, #tpu.memory_space<vmem>>) target_semaphore(%arg11 : memref<!tpu.dma_semaphore, #tpu.memory_space<semaphore_mem>>)
        } else {
        }
      }
    }
    %scan3A_98 = arith.constant 160 : i32
    %add3A_99 = arith.constant 101120 : i32
    %add3A_100 = arith.addi %mul3A_2, %add3A_99 : i32
    %dma_wait3A_101 = arith.constant 0 : i32
    %dma_wait3A_102 = arith.constant 0 : i32
    %dma_wait3A_103 = arith.constant 0 : i32
    %dma_wait3A_104 = tpu.memref_slice %arg6[%dma_wait3A_101, %dma_wait3A_102, %dma_wait3A_103] : memref<2x640x64xf32, #tpu.memory_space<vmem>> -> memref<1x640x64xf32, #tpu.memory_space<vmem>>
    %dma_wait3A_105 = tpu.memref_squeeze %dma_wait3A_104 : memref<1x640x64xf32, #tpu.memory_space<vmem>> -> memref<640x64xf32, #tpu.memory_space<vmem>>
    %dma_wait3A_106 = arith.constant 0 : i32
    %dma_wait3A_107 = tpu.memref_slice %arg4[%add3A_100, %dma_wait3A_106] : memref<3276800x128xf32, #tpu.memory_space<hbm>> -> memref<640x64xf32, #tpu.memory_space<hbm>>
    %dma_wait3A_108 = arith.constant 0 : i32
    %dma_wait3A_109 = tpu.memref_slice %arg4[%add3A_100, %dma_wait3A_108] : memref<3276800x128xf32, #tpu.memory_space<hbm>> -> memref<640x64xf32, #tpu.memory_space<hbm>>
    %dma_wait3A_110 = arith.constant 0 : i32
    %dma_wait3A_111 = arith.constant 0 : i32
    %dma_wait3A_112 = tpu.memref_slice %arg6[%dma_wait3A_101, %dma_wait3A_110, %dma_wait3A_111] : memref<2x640x64xf32, #tpu.memory_space<vmem>> -> memref<1x640x64xf32, #tpu.memory_space<vmem>>
    %dma_wait3A_113 = tpu.memref_squeeze %dma_wait3A_112 : memref<1x640x64xf32, #tpu.memory_space<vmem>> -> memref<640x64xf32, #tpu.memory_space<vmem>>
    tpu.wait_dma2 semaphore(%arg9 : memref<!tpu.dma_semaphore, #tpu.memory_space<semaphore_mem>>) src(%dma_wait3A_113 : memref<640x64xf32, #tpu.memory_space<vmem>>) dst(%dma_wait3A_109 : memref<640x64xf32, #tpu.memory_space<hbm>>)
    %add3A_114 = arith.constant 101760 : i32
    %add3A_115 = arith.addi %mul3A_2, %add3A_114 : i32
    %dma_wait3A_116 = arith.constant 1 : i32
    %dma_wait3A_117 = arith.constant 0 : i32
    %dma_wait3A_118 = arith.constant 0 : i32
    %dma_wait3A_119 = tpu.memref_slice %arg6[%dma_wait3A_116, %dma_wait3A_117, %dma_wait3A_118] : memref<2x640x64xf32, #tpu.memory_space<vmem>> -> memref<1x640x64xf32, #tpu.memory_space<vmem>>
    %dma_wait3A_120 = tpu.memref_squeeze %dma_wait3A_119 : memref<1x640x64xf32, #tpu.memory_space<vmem>> -> memref<640x64xf32, #tpu.memory_space<vmem>>
    %dma_wait3A_121 = arith.constant 0 : i32
    %dma_wait3A_122 = tpu.memref_slice %arg4[%add3A_115, %dma_wait3A_121] : memref<3276800x128xf32, #tpu.memory_space<hbm>> -> memref<640x64xf32, #tpu.memory_space<hbm>>
    %dma_wait3A_123 = arith.constant 0 : i32
    %dma_wait3A_124 = tpu.memref_slice %arg4[%add3A_115, %dma_wait3A_123] : memref<3276800x128xf32, #tpu.memory_space<hbm>> -> memref<640x64xf32, #tpu.memory_space<hbm>>
    %dma_wait3A_125 = arith.constant 0 : i32
    %dma_wait3A_126 = arith.constant 0 : i32
    %dma_wait3A_127 = tpu.memref_slice %arg6[%dma_wait3A_116, %dma_wait3A_125, %dma_wait3A_126] : memref<2x640x64xf32, #tpu.memory_space<vmem>> -> memref<1x640x64xf32, #tpu.memory_space<vmem>>
    %dma_wait3A_128 = tpu.memref_squeeze %dma_wait3A_127 : memref<1x640x64xf32, #tpu.memory_space<vmem>> -> memref<640x64xf32, #tpu.memory_space<vmem>>
    tpu.wait_dma2 semaphore(%arg10 : memref<!tpu.dma_semaphore, #tpu.memory_space<semaphore_mem>>) src(%dma_wait3A_128 : memref<640x64xf32, #tpu.memory_space<vmem>>) dst(%dma_wait3A_124 : memref<640x64xf32, #tpu.memory_space<hbm>>)
    return
  }
}

</mosaic_0001>

<sc_bundles>
// kernel: kernel.3.cloned.1.call-start
scs
__scs_entry_jumppad:
0x0: {  	(pc) =	sbr.rel $0x88, $3  }
0x1: {  	(tag) =	ssettag $0x0;
	lr =	simm.s32 $0x1  }
0x2: {  	[smem:$0x3F9F] =	sst lr;
	_ =	strace $0xD0000000  }
0x3: {  	_ = 	snop  }
0x4: {  	_ = 	snop  }
0x5: {  	_ = 	snop  }
0x6: {  	_ = 	snop  }
0x7: {  	_ = 	snop  }
__scs_overlays_trampoline_lowered:
0x8: {  	[smem:$0x3FAE] =	sst s0  }
0x9: {  	[smem:$0x3FAF] =	sst s1  }
0xa: {  	[smem:$0x3FB0] =	sst s2  }
0xb: {  	[smem:$0x3FB1] =	sst s3  }
0xc: {  	[smem:$0x3FB2] =	sst s4  }
0xd: {  	[smem:$0x3FB3] =	sst s5  }
0xe: {  	[smem:$0x3FB4] =	sst s6  }
0xf: {  	[smem:$0x3FB5] =	sst s7  }
0x10: {  	[smem:$0x3FB6] =	sst s8  }
0x11: {  	[smem:$0x3FB7] =	sst s9;
	s0 =	simm.s32 @!p0 $0x0  }
0x12: {  	s1 =	sld [smem:$0x3F9D];
	s0 =	simm.s32 @p0 $0x1  }
0x13: {  	[smem:$0x3FB8] =	sst s0;
	s0 =	simm.s32 @!p1 $0x0  }
0x14: {  	s2 =	sld [smem:$0x3F9C];
	s0 =	simm.s32 @p1 $0x1  }
0x15: {  	[smem:$0x3FB9] =	sst s0;
	s0 =	simm.s32 @!p2 $0x0  }
0x16: {  	s3 =	sld [smem:$0x3FDB];
	s0 =	simm.s32 @p2 $0x1  }
0x17: {  	s4 =	simm.s32 $0x1BF5;
	[smem:$0x3FBB] =	sst s0  }
0x18: {  	s0 =	sld [smem:$0x3F9E];
	_ =	swait.ge [sflag:s4], $0x0  }
0x19: {  	s7 =	sld [smem:$0x3F9F]  }
0x1a: {  	s8 =	sadd.s32 $0xFFFFE003, lr  }
0x1b: {  	s9 =	sadd.s32 $0xFFFFFEF7, lr;
	s5 =	simm.s32 $0xFFFFFFFF;
	p2 =	slt.u32 s8, $0xFFFFF086  }
0x1c: {  	p1 =	slt.u32 s9, $0xF7A;
	s5 =	simm.s32 @!p2 $0x0  }
0x1d: {  	s5 =	simm.s32 @p1 $0x1;
	p0 =	seq.s32 s7, s2  }
0x1e: {  	s7 =	smul.u32 @!p0 $0xF7A, s2;
	p2 =	seq.s32 @!p0 s5, $0x0  }
0x1f: {  	s9 =	smul.u32 $0xF7A, s1;
	s8 =	simm.s32 @!p0 $0x1BF5;
	p2 =	por !p2, p0  }
0x20: {  	[sflag:s8] =	ssyncset.s32 @!p0 $0xFFFFF086;
	s6 =	sadd.s32 @!p0 s3, s7;
	s7 =	simm.s32 @!p0 $0x108  }
0x21: {  	s3 =	sadd.s32 s3, s9;
	s6 =	sadd.s32 @!p0 $0x88, s6;
	s7 =	simm.s32 @p2 $0x1082  }
0x22: {  	[simem:s7], [sflag:s8] =	dma.local @!p0 [hbm:s6], $0xF7A  }
0x23: {  	s9 =	sor.u32 $0xD0000000, s2;
	s6 =	simm.s32 $0x108;
	_ =	swait.ge @!p0 [sflag:s8], $0x0  }
0x24: {  	s3 =	sadd.s32 $0x88, s3;
	s6 =	simm.s32 @!p1 $0x1082;
	[sflag:s4] =	ssyncset.s32 $0xFFFFF086  }
0x25: {  	[simem:s6], [sflag:s4] =	dma.local [hbm:s3], $0xF7A  }
0x26: {  	[smem:$0x3F9F] =	sst s1;
	(tag) =	ssettag s2;
	_ =	strace s9  }
0x27: {  	s1 =	sld [smem:$0x3FAF]  }
0x28: {  	s2 =	sld [smem:$0x3FB0]  }
0x29: {  	s4 =	sld [smem:$0x3FB2]  }
0x2a: {  	p0 =	seq.s32 s5, $0x0;
	s5 =	sld [smem:$0x3FB3]  }
0x2b: {  	s6 =	sld [smem:$0x3FB4]  }
0x2c: {  	s7 =	sld [smem:$0x3FB5]  }
0x2d: {  	s3 =	simm.s32 $0x108;
	s8 =	sld [smem:$0x3FB6]  }
0x2e: {  	s3 =	simm.s32 @!p0 $0x1082;
	s9 =	sld [smem:$0x3FB7]  }
0x2f: {  	lr =	sadd.s32 s0, s3;
	s0 =	sld [smem:$0x3FAE]  }
0x30: {  	s3 =	sld [smem:$0x3FB1]  }
0x31: {  	[smem:$0x3FBA] =	sst s10  }
0x32: {  	s10 =	sld [smem:$0x3FB8];
	_ =	sdelay $0x3  }
0x33: {  	p0 =	seq.s32 s10, $0x1;
	s10 =	sld [smem:$0x3FBA];
	_ =	sdelay $0x3  }
0x34: {  	[smem:$0x3FBA] =	sst s10  }
0x35: {  	s10 =	sld [smem:$0x3FB9];
	_ =	sdelay $0x3  }
0x36: {  	p1 =	seq.s32 s10, $0x1;
	s10 =	sld [smem:$0x3FBA];
	_ =	sdelay $0x3  }
0x37: {  	[smem:$0x3FBA] =	sst s10  }
0x38: {  	s10 =	sld [smem:$0x3FBB]  }
0x39: {  	_ = 	snop;
	(pc) =	sbr.ind lr, $3  }
0x3a: {  	_ = 	snop  }
0x3b: {  	_ = 	snop  }
0x3c: {  	p2 =	seq.s32 s10, $0x1;
	s10 =	sld [smem:$0x3FBA]  }
0x3d: {  	_ =	shalt  }
0x3e: {  	_ =	shalt  }
0x3f: {  	_ =	shalt  }
0x40: {  	_ =	shalt  }
0x41: {  	_ =	shalt  }
0x42: {  	_ =	shalt  }
0x43: {  	_ =	shalt  }
0x44: {  	_ =	shalt  }
0x45: {  	_ =	shalt  }
0x46: {  	_ =	shalt  }
0x47: {  	_ =	shalt  }
0x48: {  	_ =	shalt  }
0x49: {  	_ =	shalt  }
0x4a: {  	_ =	shalt  }
0x4b: {  	_ =	shalt  }
0x4c: {  	_ =	shalt  }
0x4d: {  	_ =	shalt  }
0x4e: {  	_ =	shalt  }
0x4f: {  	_ =	shalt  }
0x50: {  	_ =	shalt  }
0x51: {  	_ =	shalt  }
0x52: {  	_ =	shalt  }
0x53: {  	_ =	shalt  }
0x54: {  	_ =	shalt  }
0x55: {  	_ =	shalt  }
0x56: {  	_ =	shalt  }
0x57: {  	_ =	shalt  }
0x58: {  	_ =	shalt  }
0x59: {  	_ =	shalt  }
0x5a: {  	_ =	shalt  }
0x5b: {  	_ =	shalt  }
0x5c: {  	_ =	shalt  }
0x5d: {  	_ =	shalt  }
0x5e: {  	_ =	shalt  }
0x5f: {  	_ =	shalt  }
0x60: {  	_ =	shalt  }
0x61: {  	_ =	shalt  }
0x62: {  	_ =	shalt  }
0x63: {  	_ =	shalt  }
0x64: {  	_ =	shalt  }
0x65: {  	_ =	shalt  }
0x66: {  	_ =	shalt  }
0x67: {  	_ =	shalt  }
0x68: {  	_ =	shalt  }
0x69: {  	_ =	shalt  }
0x6a: {  	_ =	shalt  }
0x6b: {  	_ =	shalt  }
0x6c: {  	_ =	shalt  }
0x6d: {  	_ =	shalt  }
0x6e: {  	_ =	shalt  }
0x6f: {  	_ =	shalt  }
0x70: {  	_ =	shalt  }
0x71: {  	_ =	shalt  }
0x72: {  	_ =	shalt  }
0x73: {  	_ =	shalt  }
0x74: {  	_ =	shalt  }
0x75: {  	_ =	shalt  }
0x76: {  	_ =	shalt  }
0x77: {  	_ =	shalt  }
0x78: {  	_ =	shalt  }
0x79: {  	_ =	shalt  }
0x7a: {  	_ =	shalt  }
0x7b: {  	_ =	shalt  }
0x7c: {  	_ =	shalt  }
0x7d: {  	_ =	shalt  }
0x7e: {  	_ =	shalt  }
0x7f: {  	_ =	shalt  }
0x80: {  	_ =	shalt  }
0x81: {  	_ =	shalt  }
0x82: {  	_ =	shalt  }
0x83: {  	_ =	shalt  }
0x84: {  	_ =	shalt  }
0x85: {  	_ =	shalt  }
0x86: {  	_ =	shalt  }
0x87: {  	_ =	shalt  }
.Lfunc_end0:
.L_simem_size_0:
called_computation.1_lowered:
.L_overlay_start_0:
0x88: {  	s2 =	sld [smem:$0x3FD9]  }
0x89: {  	s3 =	sld [smem:$0x3FFE];
	_ =	sdelay $0x1  }
0x8a: {  	s1 =	srdreg.scid  }
0x8b: {  	s0 =	sand.u32 $0x1, s1  }
0x8c: {  	s16 =	sshll.u32 s0, $0xA;
	s2 =	sadd.s32 s3, s2  }
0x8d: {  	s2 =	sadd.s32 s2, s16  }
0x8e: {  	[smem:$0x3FC6] =	sst s2  }
0x8f: {  	_ = 	snop  }
0x90: {  	(tm) =	ssettm $0x1  }
0x91: {  	s17 =	sld [smem:$0x3FFB];
	_ =	sdelay $0x3  }
0x92: {  	_ =	strace s17  }
0x93: {  	s2 =	sld [smem:$0x3FFC];
	_ =	sdelay $0x3  }
0x94: {  	_ =	strace s2  }
0x95: {  	s2 =	sld [smem:$0x3FFD];
	_ =	sdelay $0x3  }
0x96: {  	_ =	strace s2  }
0x97: {  	_ =	strace $0x8FFFFFFF  }
0x98: {  	s18 =	sld [smem:$0x3FDB];
	_ =	sdelay $0x1  }
0x99: {  	s19 =	simm.s32 $_scs_section_size  }
0x9a: {  	s4 =	simm.s32 $_size__tile_overlayer_lowered;
	s5 =	simm.s32 $_tile_overlayer_lowered  }
0x9b: {  	s22 =	simm.s32 $0x1BFF;
	s21 =	sshll.u32 s5, $0x1;
	s2 =	sadd.s32 s19, s18  }
0x9c: {  	s6 =	simm.s32 $0x0;
	s20 =	sshll.u32 s4, $0x1;
	s4 =	sadd.s32 s21, s2  }
0x9d: {  	[timem:s6], [sflag:s22] =	dma.local [hbm:s4], s20  }
0x9e: {  	_ =	swait.ge [sflag:s22], s20  }
0x9f: {  	s3 =	ssub.s32 $0x0, s20;
	[sflag:s22] =	ssyncset.done $0x0  }
0xa0: {  	[sflag:s22] =	ssyncadd.s32 s3;
	_ =	sdelay $0x1  }
0xa1: {  	s23 =	simm.s32 $0x1B8B  }
0xa2: {  	_ =	swait.ge [sflag:s23], $0x1  }
0xa3: {  	[sflag:s23] =	ssyncset.done $0x0  }
0xa4: {  	s25 =	simm.s32 $0x1B8E;
	s24 =	sld [smem:$0x3FFE];
	[sflag:s23] =	ssyncadd.s32 $0xFFFFFFFF  }
0xa5: {  	s26 =	simm.s32 $execute0_lowered;
	[smem:$0x3FD2] =	sst s25  }
0xa6: {  	s4 =	sshll.u32 s26, $0x1;
	_ =	strace $0x80000046;
	[dreg:$0x1] =	wrdreg $0xFFFFFFFF  }
0xa7: {  	s28 =	simm.s32 $_size_execute0_lowered;
	s2 =	sadd.s32 s2, s4;
	[dreg:$0x0] =	wrdreg $0x0  }
0xa8: {  	s4 =	sshll.u32 s28, $0x1;
	[dreg:$0x2] =	wrdreg s2  }
0xa9: {  	[dreg:$0x3] =	wrdreg s4  }
0xaa: {  	[dreg:$0x4] =	wrdreg $0xC0  }
0xab: {  	_ =	task [dreg:s6], $0x5FFFF  }
0xac: {  	[dreg:$0x1] =	wrdreg $0xFFFFFFFF  }
0xad: {  	[dreg:$0x0] =	wrdreg $0x60  }
0xae: {  	[dreg:$0x2] =	wrdreg s24  }
0xaf: {  	[dreg:$0x3] =	wrdreg $0x9  }
0xb0: {  	_ =	task.clear_ibuf [dreg:s6], $0x4FFFF;
	_ =	strace $0x90000046  }
0xb1: {  	s29 =	simm.s32 $0x9;
	_ =	strace $0x80000048  }
0xb2: {  	_ =	swait.ge [sflag:s29], $0x1  }
0xb3: {  	[sflag:s29] =	ssyncadd.s32 $0xFFFFFFFF  }
0xb4: {  	_ =	strace $0x90000048  }
0xb5: {  	_ =	sfence  }
0xb6: {  	s30 =	sld [smem:$0x0];
	_ =	sdelay $0x2  }
0xb7: {  	s31 =	sshll.u32 s1, $0xD;
	s1 =	sshrl.u32 s1, $0x2  }
0xb8: {  	s3 =	sand.u32 $0x4000, s31;
	s1 =	sadd.s32 s1, s30  }
0xb9: {  	s0 =	sor.u32 s3, s0;
	s1 =	sshll.u32 s1, $0x11  }
0xba: {  	s0 =	sor.u32 s1, s0  }
0xbb: {  	s0 =	sadd.s32 $0x8F2B, s0  }
0xbc: {  	[sflag:s0] =	ssyncadd.remote.s32 $0x1  }
0xbd: {  	_ =	sfence.sel $0xFFFF  }
0xbe: {  	[dreg:$0x0] =	wrdreg $0xFFFFFFFF;
	(pc) =	sbr.abs _section_cstart, $3  }
0xbf: {  	[dreg:$0x1] =	wrdreg $0xFFFFFFFF  }
0xc0: {  	_ =	task.clear_ibuf [dreg:s6], $0x2FFFF;
	_ =	strace $0x9FFFFFFF  }
0xc1: {  	(tm) =	ssettm $0x7FFFFFFF  }
tec
execute0_lowered:
.L_overlay_start_1:
0x0: {  	(tag) =	ssettag $0x1  }
0x1: {  	s0 =	srdreg.scid;
	s10 =	stileid.u32  }
0x2: {  	s1 =	rddreg [dreg:$0x0];
	s2 =	simm.s32 $0x0;
	s11 =	simm.s32 $0x280  }
0x3: {  	s12 =	simm.s32 $0x5;
	s13 =	simm.s32 $0x80;
	s14 =	simm.s32 $0x500  }
0x4: {  	s22 =	simm.s32 $0xA500;
	s23 =	simm.s32 $0x300;
	s24 =	simm.s32 $0xC500  }
0x5: {  	s28 =	simm.s32 $0x400;
	s29 =	simm.s32 $0x10500;
	s30 =	simm.s32 $0x480  }
0x6: {  	s31 =	simm.s32 $0x12500;
	s15 =	simm.s32 $0x3;
	s16 =	simm.s32 $0x4  }
0x7: {  	s17 =	simm.s32 $0x2;
	s18 =	simm.s32 $0x0;
	s6 =	smul.u32 $0x32000, s10  }
0x8: {  	s0 =	sand.u32 $0x1, s0;
	s3 =	sshll.u32 s10, $0x1;
	s26 =	smul.u32 $0x320000, s10  }
0x9: {  	[smem:$0x7FF] =	sst s2;
	s4 =	sadd.s32 $0x805A00, s1;
	s9 =	smul.u32 $0x19000, s0  }
0xa: {  	s3 =	sor.u32 s0, s3;
	s7 =	ssub.s32 $0x2, s0;
	s0 =	smul.u32 $0x190000, s0  }
0xb: {  	s8 =	sadd.s32 $0x800, s1;
	_ =	strace $0x80000047;
	s5 =	smul.u32 $0x19000, s3  }
0xc: {  	s3 =	sadd.s32 $0x64800, s1;
	s25 =	sshrl.u32 s7, $0x1;
	s6 =	sadd.s32 s9, s6  }
0xd: {  	s1 =	ssub.s32 s7, s25;
	s9 =	sadd.s32 s0, s26;
	s25 =	simm.s32 $0x380  }
.Ltmp0:
0xe: {  	s26 =	simm.s32 $0xE500;
	s0 =	simm.s32 $0x40;
	(pc) =	sbr.rel .LBB2_1-.Ltmp0, $4  }
0xf: {  	s5 =	sshrl.u32 s5, $0x3;
	s6 =	sor.u32 $0x500, s6;
	s1 =	smax.u32 s1, $0x1  }
0x10: {  	s10 =	sadd.s32 s4, s9;
	s5 =	sadd.s32 s8, s5;
	[dreg:$0x4] =	wrdreg s1  }
0x11: {  	s6 =	sshrl.u32 s6, $0x3;
	[dreg:$0x2] =	wrdreg s5;
	s5 =	sadd.s32 $0x50, s5  }
0x12: {  	s1 =	simm.s32 $0x1;
	s20 =	sadd.s32 s6, s8;
	[dreg:$0x3] =	wrdreg s5  }
.LBB2_7:
0x13: {  	_ =	swait.ge [sflag:s15], $0xA000  }
0x14: {  	[sflag:s15] =	ssyncset.done $0x0  }
0x15: {  	[sflag:s15] =	ssyncadd.s32 $0xFFFF6000  }
0x16: {  	_ =	swait.ge [sflag:s16], $0xA000  }
0x17: {  	s18 =	sadd.s32 $0x1, s18;
	s5 =	rddreg [dreg:$0x4]  }
0x18: {  	p0 =	sne.s32 s18, s5  }
.Ltmp1:
0x19: {  	_ = 	snop;
	(pc) =	sbr.rel @!p0 .LBB2_8-.Ltmp1, $3  }
0x1a: {  	_ =	sdelay $0x1  }
0x1b: {  	[sflag:s16] =	ssyncset.done $0x0  }
0x1c: {  	[sflag:s16] =	ssyncadd.s32 $0xFFFF6000  }
.LBB2_1:
0x1d: {  	s5 =	rddreg [dreg:$0x2]  }
0x1e: {  	[tilespmem:s2], [sflag:$0x5] =	stream.linear.gather [hbm4b:s5+s2], $0x280, $0x38;
	[tilespmem:$0x14500] =	vst v63  }
0x1f: {  	s8 =	rddreg [dreg:$0x3]  }
0x20: {  	[tilespmem:s11], [sflag:$0x5] =	stream.linear.gather [hbm4b:s8+s2], $0x280, $0x38;
	[tilespmem:$0x14500] =	vst v63  }
0x21: {  	_ =	swait.ge [sflag:s12], $0x280  }
0x22: {  	[sflag:s12] =	ssyncset.done $0x0  }
0x23: {  	[sflag:s12] =	ssyncadd.s32 $0xFFFFFD80  }
0x24: {  	[tilespmem:s14], [sflag:$0x1] =	stream.indirect.gather [hbm4b:s3+s13], $0x40, s2, s13, $0xb8;
	[tilespmem:$0x14500] =	vst v63  }
0x25: {  	s19 =	simm.s32 $0x2500  }
0x26: {  	[tilespmem:s19], [sflag:$0x1] =	stream.indirect.gather [hbm4b:s3+s13], $0x40, s13, s13, $0xb8;
	[tilespmem:$0x14500] =	vst v63  }
0x27: {  	s21 =	simm.s32 $0x100;
	s6 =	simm.s32 $0x4500  }
0x28: {  	[tilespmem:s6], [sflag:$0x1] =	stream.indirect.gather [hbm4b:s3+s13], $0x40, s21, s13, $0xb8;
	[tilespmem:$0x14500] =	vst v63  }
.Ltmp2:
0x29: {  	s7 =	simm.s32 $0x180;
	s8 =	simm.s32 $0x6500;
	(pc) =	sbr.rel .LBB2_2-.Ltmp2, $4  }
0x2a: {  	[tilespmem:s8], [sflag:$0x1] =	stream.indirect.gather [hbm4b:s3+s13], $0x40, s7, s13, $0xb8;
	[tilespmem:$0x14500] =	vst v63  }
0x2b: {  	s19 =	simm.s32 $0x200;
	s21 =	simm.s32 $0x8500  }
0x2c: {  	[tilespmem:s21], [sflag:$0x1] =	stream.indirect.gather [hbm4b:s3+s13], $0x40, s19, s13, $0xb8;
	[tilespmem:$0x14500] =	vst v63  }
0x2d: {  	s8 =	smov.u32 s20;
	s19 =	simm.s32 $0x0;
	s21 =	simm.s32 $0x0  }
.LBB2_5:
0x2e: {  	[tilespmem:s6], [sflag:$0x5] =	stream.linear.gather [hbm4b:s8+s2], $0x280, $0x38;
	[tilespmem:$0x14500] =	vst v63  }
.LBB2_6:
0x2f: {  	s19 =	sadd.s32 $0x2800, s19  }
0x30: {  	p0 =	sne.s32 s19, $0x190000  }
.Ltmp3:
0x31: {  	_ = 	snop;
	(pc) =	sbr.rel @!p0 .LBB2_7-.Ltmp3, $2  }
0x32: {  	_ =	sdelay $0x2  }
0x33: {  	s21 =	sadd.s32 $0x1, s21;
	s8 =	sadd.s32 $0x50, s8  }
.LBB2_2:
0x34: {  	s6 =	sand.u32 $0x1, s21  }
0x35: {  	p0 =	seq.s32 s6, $0x1  }
.Ltmp4:
0x36: {  	_ = 	snop;
	(pc) =	sbr.rel @p0 .LBB2_4-.Ltmp4, $1  }
0x37: {  	_ =	sdelay $0x3  }
0x38: {  	p0 =	seq.s32 s19, $0x0  }
0x39: {  	s6 =	simm.s32 @!p0 $0x4  }
0x3a: {  	_ =	swait.ge @!p0 [sflag:s6], $0xA000  }
0x3b: {  	[sflag:s6] =	ssyncset.done @!p0 $0x0  }
0x3c: {  	[sflag:s6] =	ssyncadd.s32 @!p0 $0xFFFF6000  }
0x3d: {  	_ =	swait.ge [sflag:s12], $0x280  }
0x3e: {  	[sflag:s12] =	ssyncset.done $0x0  }
0x3f: {  	[sflag:s12] =	ssyncadd.s32 $0xFFFFFD80  }
0x40: {  	[tilespmem:s22], [sflag:$0x2] =	stream.indirect.gather [hbm4b:s3+s13], $0x40, s11, s13, $0xb8;
	[tilespmem:$0x14500] =	vst v63  }
0x41: {  	_ = 	snop  }
0x42: {  	[tilespmem:s24], [sflag:$0x2] =	stream.indirect.gather [hbm4b:s3+s13], $0x40, s23, s13, $0xb8;
	[tilespmem:$0x14500] =	vst v63  }
0x43: {  	_ = 	snop  }
0x44: {  	[tilespmem:s26], [sflag:$0x2] =	stream.indirect.gather [hbm4b:s3+s13], $0x40, s25, s13, $0xb8;
	[tilespmem:$0x14500] =	vst v63  }
0x45: {  	_ = 	snop  }
0x46: {  	[tilespmem:s29], [sflag:$0x2] =	stream.indirect.gather [hbm4b:s3+s13], $0x40, s28, s13, $0xb8;
	[tilespmem:$0x14500] =	vst v63  }
0x47: {  	_ = 	snop  }
0x48: {  	[tilespmem:s31], [sflag:$0x2] =	stream.indirect.gather [hbm4b:s3+s13], $0x40, s30, s13, $0xb8;
	[tilespmem:$0x14500] =	vst v63  }
0x49: {  	_ =	swait.ge [sflag:s1], $0x2000  }
0x4a: {  	[sflag:s1] =	ssyncset.done $0x0  }
0x4b: {  	[sflag:s1] =	ssyncadd.s32 $0xFFFFE000  }
0x4c: {  	_ =	swait.ge [sflag:s1], $0x2000  }
0x4d: {  	[sflag:s1] =	ssyncset.done $0x0  }
0x4e: {  	[sflag:s1] =	ssyncadd.s32 $0xFFFFE000  }
0x4f: {  	_ =	swait.ge [sflag:s1], $0x2000  }
0x50: {  	[sflag:s1] =	ssyncset.done $0x0  }
0x51: {  	[sflag:s1] =	ssyncadd.s32 $0xFFFFE000  }
0x52: {  	_ =	swait.ge [sflag:s1], $0x2000  }
0x53: {  	[sflag:s1] =	ssyncset.done $0x0  }
0x54: {  	p0 =	slt.u32 s21, $0x9E;
	[sflag:s1] =	ssyncadd.s32 $0xFFFFE000  }
.Ltmp5:
0x55: {  	s7 =	sadd.s32 s19, s9;
	_ =	swait.ge [sflag:s1], $0x2000;
	(pc) =	sbr.rel @p0 .LBB2_5-.Ltmp5, $4  }
.Ltmp6:
0x56: {  	s6 =	sand.u32 $0x1FFFF000, s7;
	[sflag:s1] =	ssyncset.done $0x0;
	(pc) =	sbr.rel @!p0 .LBB2_6-.Ltmp6, $4  }
0x57: {  	s6 =	sadd.s32 s4, s6;
	[sflag:s1] =	ssyncadd.s32 $0xFFFFE000  }
0x58: {  	[hbm4b:s6+s0] =	stream.strided.scatter [tilespmem:s14], [sflag:$0x3], $0xA000, s13, s0, $0x38;
	[tilespmem:$0x14500] =	vst v63  }
0x59: {  	s6 =	simm.s32 $0x0  }
0x5a: {  	_ = 	snop  }
.LBB2_4:
0x5b: {  	p0 =	seq.s32 s19, $0x18D800  }
0x5c: {  	s6 =	simm.s32 @!p0 $0x3  }
0x5d: {  	_ =	swait.ge @!p0 [sflag:s6], $0xA000  }
0x5e: {  	[sflag:s6] =	ssyncset.done @!p0 $0x0  }
0x5f: {  	[sflag:s6] =	ssyncadd.s32 @!p0 $0xFFFF6000;
	s6 =	simm.s32 @!p0 $0x5  }
0x60: {  	_ =	swait.ge @!p0 [sflag:s6], $0x280  }
0x61: {  	s5 =	simm.s32 @!p0 $0x0;
	[sflag:s6] =	ssyncset.done @!p0 $0x0  }
0x62: {  	s7 =	simm.s32 @!p0 $0x500;
	[sflag:s6] =	ssyncadd.s32 @!p0 $0xFFFFFD80;
	s6 =	simm.s32 @!p0 $0x80  }
0x63: {  	[tilespmem:s7], [sflag:$0x1] =	stream.indirect.gather @!p0 [hbm4b:s3+s6], $0x40, s5, s6, $0xb8;
	[tilespmem:$0x14500] =	vst v63  }
0x64: {  	s5 =	simm.s32 @!p0 $0x2500  }
0x65: {  	[tilespmem:s5], [sflag:$0x1] =	stream.indirect.gather @!p0 [hbm4b:s3+s6], $0x40, s6, s6, $0xb8;
	[tilespmem:$0x14500] =	vst v63  }
0x66: {  	s7 =	simm.s32 @!p0 $0x4500;
	s5 =	simm.s32 @!p0 $0x100  }
0x67: {  	[tilespmem:s7], [sflag:$0x1] =	stream.indirect.gather @!p0 [hbm4b:s3+s6], $0x40, s5, s6, $0xb8;
	[tilespmem:$0x14500] =	vst v63  }
0x68: {  	s5 =	simm.s32 @!p0 $0x180;
	s7 =	simm.s32 @!p0 $0x6500  }
0x69: {  	[tilespmem:s7], [sflag:$0x1] =	stream.indirect.gather @!p0 [hbm4b:s3+s6], $0x40, s5, s6, $0xb8;
	[tilespmem:$0x14500] =	vst v63  }
0x6a: {  	s5 =	simm.s32 @!p0 $0x200;
	s7 =	simm.s32 @!p0 $0x8500  }
0x6b: {  	[tilespmem:s7], [sflag:$0x1] =	stream.indirect.gather @!p0 [hbm4b:s3+s6], $0x40, s5, s6, $0xb8;
	[tilespmem:$0x14500] =	vst v63  }
0x6c: {  	_ =	swait.ge [sflag:s17], $0x2000  }
0x6d: {  	[sflag:s17] =	ssyncset.done $0x0  }
0x6e: {  	[sflag:s17] =	ssyncadd.s32 $0xFFFFE000  }
0x6f: {  	_ =	swait.ge [sflag:s17], $0x2000  }
0x70: {  	[sflag:s17] =	ssyncset.done $0x0  }
0x71: {  	[sflag:s17] =	ssyncadd.s32 $0xFFFFE000  }
0x72: {  	_ =	swait.ge [sflag:s17], $0x2000  }
0x73: {  	[sflag:s17] =	ssyncset.done $0x0  }
0x74: {  	[sflag:s17] =	ssyncadd.s32 $0xFFFFE000  }
0x75: {  	_ =	swait.ge [sflag:s17], $0x2000  }
0x76: {  	p0 =	sgt.u32 s21, $0x9D;
	[sflag:s17] =	ssyncset.done $0x0  }
.Ltmp7:
0x77: {  	[sflag:s17] =	ssyncadd.s32 $0xFFFFE000;
	(pc) =	sbr.rel @p0 .LBB2_6-.Ltmp7, $4  }
.Ltmp8:
0x78: {  	_ =	swait.ge [sflag:s17], $0x2000;
	(pc) =	sbr.rel @!p0 .LBB2_5-.Ltmp8, $4  }
0x79: {  	[sflag:s17] =	ssyncset.done $0x0  }
0x7a: {  	s7 =	sadd.s32 s19, s10;
	s6 =	simm.s32 $0x280;
	[sflag:s17] =	ssyncadd.s32 $0xFFFFE000  }
0x7b: {  	[hbm4b:s7+s0] =	stream.strided.scatter [tilespmem:s22], [sflag:$0x4], $0xA000, s13, s0, $0x38;
	[tilespmem:$0x14500] =	vst v63  }
0x7c: {  	_ = 	snop  }
.LBB2_8:
0x7d: {  	_ =	sfence.sel $0x180000  }
0x7e: {  	[bflag:$0x0] =	sbarrier.arrive $0xFFFF  }
0x7f: {  	_ =	strace $0x90000047  }
0x80: {  	s0 =	stileid.u32;
	[bflag:$0x2] =	sbarrier.arrive $0xFFFF  }
0x81: {  	p0 =	sne.s32 s0, $0x0;
	s0 =	rddreg [dreg:$0x1]  }
0x82: {  	s0 =	sadd.s32 @!p0 $0x100000, s0  }
0x83: {  	[sflag:s0] =	ssyncadd.tile.s32 @!p0 $0x1;
	_ =	shalt  }
.Lfunc_end2:
_tile_overlayer_lowered:
.L_overlay_start_2:
0x84: {  	(tag) =	ssettag $0x2  }
0x85: {  	s0 =	rddreg [dreg:$0x0];
	s2 =	stileid.u32  }
0x86: {  	s1 =	rddreg [dreg:$0x1];
	p0 =	sne.s32 s2, $0x0  }
0x87: {  	s3 =	rddreg [dreg:$0x2];
	[bflag:$0x3] =	sbarrier.arrive $0xFFFF;
	s2 =	simm.s32 @!p0 $0x1C06  }
0x88: {  	[timem:s3], [sflag:s2] =	dma.local @!p0 [hbm:s0], s1  }
0x89: {  	s0 =	simm.s32 @!p0 $0x6  }
0x8a: {  	_ =	swait.ge @!p0 [sflag:s0], s1  }
0x8b: {  	s1 =	ssub.s32 @!p0 $0x0, s1;
	[sflag:s0] =	ssyncset.done @!p0 $0x0  }
0x8c: {  	[sflag:s0] =	ssyncadd.s32 @!p0 s1  }
0x8d: {  	[bflag:$0x3] =	sbarrier.arrive $0xFFFF  }
0x8e: {  	_ =	shalt  }

// kernel: sparse-core-data-format-call.cloned.1.call-start
scs
called_computation_lowered:
.L_overlay_start_0:
0x0: {  	s2 =	sld [smem:$0x3FD9]  }
0x1: {  	s3 =	sld [smem:$0x3FFE];
	_ =	sdelay $0x1  }
0x2: {  	s1 =	srdreg.scid  }
0x3: {  	s0 =	sand.u32 $0x1, s1  }
0x4: {  	s18 =	sshll.u32 s0, $0xA;
	s2 =	sadd.s32 s3, s2  }
0x5: {  	s2 =	sadd.s32 s2, s18  }
0x6: {  	[smem:$0x3FC6] =	sst s2  }
0x7: {  	_ = 	snop  }
0x8: {  	s2 =	sld [smem:$0x3FD0];
	(tm) =	ssettm $0x1  }
0x9: {  	s19 =	sld [smem:$0x3FFB];
	_ =	sdelay $0x3  }
0xa: {  	_ =	strace s19  }
0xb: {  	s3 =	sld [smem:$0x3FFC];
	_ =	sdelay $0x3  }
0xc: {  	_ =	strace s3  }
0xd: {  	s3 =	sld [smem:$0x3FFD];
	_ =	sdelay $0x3  }
0xe: {  	_ =	strace s3  }
0xf: {  	_ =	strace $0x8FFFFFFF  }
0x10: {  	s20 =	sld [smem:$0x3FDB];
	_ =	sdelay $0x1  }
0x11: {  	s4 =	simm.s32 $_scs_section_size  }
0x12: {  	s5 =	simm.s32 $_size__tile_overlayer_lowered;
	s6 =	simm.s32 $_tile_overlayer_lowered  }
0x13: {  	s23 =	simm.s32 $0x1BFF;
	s22 =	sshll.u32 s6, $0x1;
	s3 =	sadd.s32 s4, s20  }
0x14: {  	s7 =	simm.s32 $0x0;
	s21 =	sshll.u32 s5, $0x1;
	s5 =	sadd.s32 s22, s3  }
0x15: {  	[timem:s7], [sflag:s23] =	dma.local [hbm:s5], s21  }
0x16: {  	_ =	swait.ge [sflag:s23], s21  }
0x17: {  	s4 =	ssub.s32 $0x0, s21;
	[sflag:s23] =	ssyncset.done $0x0  }
0x18: {  	[sflag:s23] =	ssyncadd.s32 s4;
	_ =	sdelay $0x1  }
0x19: {  	s24 =	simm.s32 $0x1B8B  }
0x1a: {  	_ =	swait.ge [sflag:s24], $0x1  }
0x1b: {  	[sflag:s24] =	ssyncset.done $0x0  }
0x1c: {  	s26 =	simm.s32 $0x1B8E;
	s25 =	sld [smem:$0x3FFE];
	[sflag:s24] =	ssyncadd.s32 $0xFFFFFFFF  }
0x1d: {  	s27 =	simm.s32 $execute0_lowered;
	[smem:$0x3FD2] =	sst s26  }
0x1e: {  	s5 =	sshll.u32 s27, $0x1;
	_ =	strace $0x80000049;
	[dreg:$0x1] =	wrdreg $0xFFFFFFFF  }
0x1f: {  	s28 =	simm.s32 $_size_execute0_lowered;
	s3 =	sadd.s32 s3, s5;
	[dreg:$0x0] =	wrdreg $0x0  }
0x20: {  	s5 =	sshll.u32 s28, $0x1;
	[dreg:$0x2] =	wrdreg s3  }
0x21: {  	[dreg:$0x3] =	wrdreg s5  }
0x22: {  	[dreg:$0x4] =	wrdreg $0xC0  }
0x23: {  	_ =	task [dreg:s7], $0x5FFFF  }
0x24: {  	[dreg:$0x1] =	wrdreg $0xFFFFFFFF  }
0x25: {  	[dreg:$0x0] =	wrdreg $0x60  }
0x26: {  	[dreg:$0x2] =	wrdreg s25  }
0x27: {  	[dreg:$0x3] =	wrdreg s2  }
0x28: {  	[dreg:$0x4] =	wrdreg $0x9  }
0x29: {  	_ =	task.clear_ibuf [dreg:s7], $0x5FFFF;
	_ =	strace $0x90000049  }
0x2a: {  	s29 =	simm.s32 $0x9;
	_ =	strace $0x8000004B  }
0x2b: {  	_ =	swait.ge [sflag:s29], $0x1  }
0x2c: {  	[sflag:s29] =	ssyncadd.s32 $0xFFFFFFFF  }
0x2d: {  	_ =	strace $0x9000004B  }
0x2e: {  	_ =	sfence  }
0x2f: {  	s30 =	sld [smem:$0x0];
	_ =	sdelay $0x2  }
0x30: {  	s31 =	sshll.u32 s1, $0xD;
	s1 =	sshrl.u32 s1, $0x2  }
0x31: {  	s3 =	sand.u32 $0x4000, s31;
	s1 =	sadd.s32 s1, s30  }
0x32: {  	s0 =	sor.u32 s3, s0;
	s1 =	sshll.u32 s1, $0x11  }
0x33: {  	s0 =	sor.u32 s1, s0  }
0x34: {  	s0 =	sadd.s32 $0x8F2B, s0  }
0x35: {  	[sflag:s0] =	ssyncadd.remote.s32 $0x1  }
0x36: {  	_ =	sfence.sel $0xFFFF  }
0x37: {  	[dreg:$0x0] =	wrdreg $0xFFFFFFFF;
	(pc) =	sbr.abs _section_cstart, $3  }
0x38: {  	[dreg:$0x1] =	wrdreg $0xFFFFFFFF  }
0x39: {  	_ =	task.clear_ibuf [dreg:s7], $0x2FFFF;
	_ =	strace $0x9FFFFFFF  }
0x3a: {  	(tm) =	ssettm $0x7FFFFFFF  }
0x3b: {  	_ =	shalt  }
tec
execute0_lowered:
.L_overlay_start_1:
0x0: {  	(tag) =	ssettag $0x1  }
0x1: {  	s0 =	srdreg.scid  }
0x2: {  	s1 =	sshll.u32 s0, $0x4  }
0x3: {  	s0 =	stileid.u32;
	s1 =	sand.u32 $0x10, s1  }
0x4: {  	s1 =	sor.u32 s0, s1  }
0x5: {  	s6 =	rddreg [dreg:$0x0];
	s4 =	simm.s32 $0x1;
	s2 =	sshll.u32 s1, $0x7  }
0x6: {  	s7 =	simm.s32 $0x2;
	s12 =	simm.s32 $0x0;
	s1 =	ssub.s32 $0x4000, s2  }
0x7: {  	s8 =	simm.s32 $0x20000;
	s13 =	simm.s32 $0x0;
	s3 =	sand.u32 $0xF80, s1  }
0x8: {  	s9 =	simm.s32 $0x0;
	s5 =	sshrl.u32 s1, $0xC;
	p0 =	sne.s32 s3, $0x0  }
.Ltmp0:
0x9: {  	s1 =	rddreg [dreg:$0x2];
	s4 =	simm.s32 @!p0 $0x0;
	(pc) =	sbr.rel .LBB1_1-.Ltmp0, $4  }
0xa: {  	s11 =	simm.s32 $0x0;
	s3 =	rddreg [dreg:$0x1];
	s5 =	sadd.s32 s4, s5  }
0xb: {  	_ =	strace $0x8000004A;
	s4 =	simm.s32 $0x1;
	s5 =	smul.u32 $0xC8, s5  }
0xc: {  	s6 =	sadd.s32 $0x805A00, s6;
	s10 =	smov.u32 s2;
	[sflag:s4] =	ssyncpa.u1 $0x0  }
0xd: {  	p0 =	por $0x0, $0x0;
	[sflag:s7] =	ssyncpa.u1 $0x0;
	s7 =	sor.u32 $0x1, s5  }
.LBB1_4:
0xe: {  	s16 =	sshll.u32 s13, $0x3;
	s17 =	sand.u32 $0x78, s13  }
0xf: {  	s30 =	sand.u32 $0x1F800, s13;
	s12 =	sshll.u32 s12, $0x11;
	s16 =	sand.u32 $0x3C00, s16  }
0x10: {  	[tilespmem:s15+$0x810 ss:$0x81] =	vst.msk $0xffff, v2;
	s31 =	sand.u32 $0x7, s13;
	s16 =	sor.u32 s17, s16;
	s17 =	sadd.s32 s3, s30  }
0x11: {  	[tilespmem:s15+$0x1020 ss:$0x81] =	vst.msk $0xffff, v0;
	s13 =	sshll.u32 s31, $0x12;
	s12 =	sadd.s32 s12, s17;
	s16 =	sshrl.u32 s16, $0x3  }
0x12: {  	[tilespmem:s15+$0x0 ss:$0x81] =	vst.msk $0xffff, v1;
	s13 =	sor.u32 $0x400, s13;
	s12 =	sadd.s32 s16, s12  }
0x13: {  	[hbm4b:s12+s13] =	stream.strided.scatter [tilespmem:s14], [sflag:$0x2], $0x2000, s8, s13, $0x20;
	[tilespmem:$0x8080] =	vst v63  }
.LBB1_5:
0x14: {  	s14 =	sadd.s32 $0x1, s9  }
0x15: {  	s12 =	sadd.s32 $0x1000, s10;
	s16 =	smov.u32 s10;
	p2 =	sgt.s32 s14, $0xC7  }
0x16: {  	s16 =	smov.u32 @p2 s12  }
0x17: {  	s14 =	simm.s32 @p2 $0x0;
	p2 =	sgt.s32 s16, $0x3FFF  }
0x18: {  	s16 =	smov.u32 @p2 s2;
	p2 =	sne.s32 s11, s7  }
.Ltmp1:
0x19: {  	p1 =	slt.u32 s11, $0x2;
	(pc) =	sbr.rel @!p2 .LBB1_6-.Ltmp1, $4  }
0x1a: {  	s15 =	simm.s32 @!p1 $0x2  }
0x1b: {  	s13 =	smov.u32 s10;
	p0 =	por !p0, !p0;
	_ =	swait.ge @!p1 [sflag:s15], $0x2000  }
0x1c: {  	s12 =	smov.u32 s9;
	[sflag:s15] =	ssyncset.done @!p1 $0x0;
	s9 =	smov.u32 s14  }
0x1d: {  	s11 =	sadd.s32 $0x1, s11;
	[sflag:s15] =	ssyncadd.s32 @!p1 $0xFFFFE000;
	s10 =	smov.u32 s16  }
.LBB1_1:
0x1e: {  	p1 =	sge.u32 s11, s5  }
0x1f: {  	s14 =	sand.u32 @!p1 $0x1FFFFFF, s9  }
0x20: {  	s15 =	smulhi.u32 @!p1 $0x147AE15, s14;
	_ =	sdelay $0x1  }
0x21: {  	s15 =	smul.u32 @!p1 $0xC8, s15  }
0x22: {  	s16 =	sxor.u32 @!p1 $0xFFFFFFFF, s11;
	s17 =	smul.u32 @!p1 $0xC80, s10  }
0x23: {  	s31 =	sadd.s32 $0xFFFFFFFF, s11;
	s16 =	sshll.u32 @!p1 s16, $0xD;
	s14 =	ssub.s32 @!p1 s14, s15  }
0x24: {  	s15 =	sand.u32 @!p1 $0x2000, s16;
	s16 =	sadd.s32 @!p1 s6, s17;
	s14 =	sshll.u32 @!p1 s14, $0x4  }
0x25: {  	s17 =	simm.s32 @!p1 $0x6400;
	s14 =	sadd.s32 @!p1 s14, s16;
	s16 =	simm.s32 @!p1 $0x40  }
0x26: {  	[tilespmem:s15], [sflag:$0x1] =	stream.strided.gather @!p1 [hbm4b:s14+s16], $0x2000, s17, s16, $0x38;
	[tilespmem:$0x8080] =	vst v63  }
0x27: {  	p1 =	sge.u32 s31, s5  }
.Ltmp2:
0x28: {  	_ = 	snop;
	(pc) =	sbr.rel @p1 .LBB1_5-.Ltmp2, $1  }
0x29: {  	_ =	sdelay $0x3  }
0x2a: {  	s14 =	simm.s32 $0x1  }
0x2b: {  	_ =	swait.ge [sflag:s4], $0x2000;
	s14 =	simm.s32 @!p0 $0x0  }
0x2c: {  	[sflag:s4] =	ssyncset.done $0x0;
	s15 =	sshll.u32 s14, $0xD  }
0x2d: {  	[sflag:s4] =	ssyncadd.s32 $0xFFFFE000;
	s18 =	sor.u32 $0x20, s15  }
0x2e: {  	s14 =	smul.u32 $0x8100, s14;
	v3 =	vld [tilespmem:s18+$0x10]  }
0x2f: {  	s30 =	sand.u32 $0x1, s11;
	v2 =	vld [tilespmem:s18+$0xFFFFFFF0]  }
0x30: {  	s15 =	smul.u32 $0x8100, s30;
	s14 =	sshrl.u32 s14, $0x2;
	v0 =	vld [tilespmem:s18+$0x0]  }
0x31: {  	v1 =	vld [tilespmem:s18+$0xFFFFFFE0];
	s16 =	sor.u32 $0x4000, s14  }
0x32: {  	s31 =	sshrl.u32 s15, $0x2;
	s15 =	sadd.s32 $0x0, s16  }
0x33: {  	s17 =	simm.s32 $0x4;
	s18 =	sadd.s32 $0x40, s18;
	s14 =	sor.u32 $0x4000, s31;
	[tilespmem:s15+$0x1830 ss:$0x81] =	vst.msk $0xffff, v3  }
.LBB1_3:
0x34: {  	v3 =	vld [tilespmem:s18+$0x10];
	p1 =	sne.s32 s17, $0x1FC;
	[tilespmem:s15+$0x810 ss:$0x81] =	vst.msk $0xffff, v2;
	s19 =	smov.u32 s17;
	s17 =	sadd.s32 $0x4, s17  }
.Ltmp3:
0x35: {  	v2 =	vld [tilespmem:s18+$0xFFFFFFF0];
	[tilespmem:s15+$0x1020 ss:$0x81] =	vst.msk $0xffff, v0;
	(pc) =	sbr.rel @p1 .LBB1_3-.Ltmp3, $4  }
0x36: {  	v0 =	vld [tilespmem:s18+$0x0];
	[tilespmem:s15+$0x0 ss:$0x81] =	vst.msk $0xffff, v1  }
0x37: {  	s15 =	sshra.s32 s19, $0x2;
	v1 =	vld [tilespmem:s18+$0xFFFFFFE0]  }
0x38: {  	s15 =	sadd.s32 s15, s16  }
0x39: {  	s18 =	sadd.s32 $0x40, s18;
	[tilespmem:s15+$0x1830 ss:$0x81] =	vst.msk $0xffff, v3  }
.Ltmp4:
0x3a: {  	_ = 	snop;
	(pc) =	sbr.rel .LBB1_4-.Ltmp4, $1  }
0x3b: {  	_ =	sdelay $0x3  }
.LBB1_6:
0x3c: {  	_ =	sfence.sel $0x180000  }
0x3d: {  	s2 =	simm.s32 $0x1;
	[bflag:$0x0] =	sbarrier.arrive $0xFFFF  }
0x3e: {  	s31 =	simm.s32 $0x2;
	[sflag:s2] =	ssyncpa.u1 $0x1  }
0x3f: {  	[sflag:s31] =	ssyncpa.u1 $0x1  }
0x40: {  	p0 =	sne.s32 s0, $0x0;
	_ =	strace $0x9000004A  }
0x41: {  	s0 =	sadd.s32 @!p0 $0x100000, s1;
	[bflag:$0x2] =	sbarrier.arrive $0xFFFF  }
0x42: {  	[sflag:s0] =	ssyncadd.tile.s32 @!p0 $0x1;
	_ =	shalt  }
.Lfunc_end1:
_tile_overlayer_lowered:
.L_overlay_start_2:
0x43: {  	(tag) =	ssettag $0x2  }
0x44: {  	s0 =	rddreg [dreg:$0x0];
	s2 =	stileid.u32  }
0x45: {  	s1 =	rddreg [dreg:$0x1];
	p0 =	sne.s32 s2, $0x0  }
0x46: {  	s3 =	rddreg [dreg:$0x2];
	[bflag:$0x3] =	sbarrier.arrive $0xFFFF;
	s2 =	simm.s32 @!p0 $0x1C01  }
0x47: {  	[timem:s3], [sflag:s2] =	dma.local @!p0 [hbm:s0], s1  }
0x48: {  	s0 =	simm.s32 @!p0 $0x1  }
0x49: {  	_ =	swait.ge @!p0 [sflag:s0], s1  }
0x4a: {  	s1 =	ssub.s32 @!p0 $0x0, s1;
	[sflag:s0] =	ssyncset.done @!p0 $0x0  }
0x4b: {  	[sflag:s0] =	ssyncadd.s32 @!p0 s1  }
0x4c: {  	[bflag:$0x3] =	sbarrier.arrive $0xFFFF  }
0x4d: {  	_ =	shalt  }

</sc_bundles>
